<compile_context>
chip_gen: v7x
topology: tpu7x:2x2x1
jax: 0.10.2.dev20260603
libtpu: 0.0.44.dev20260713+nightly
codegen_flags: <defaults>
</compile_context>

<pallas_src>
import functools

import jax
import jax.numpy as jnp
from jax import lax
from jax.experimental import pallas as pl
from jax.experimental.layout import Layout
from jax.experimental.pallas import tpu as pltpu
from jax.experimental.pallas import tpu_sc as plsc


def _tiled_layout(x):
  lay = Layout(major_to_minor=tuple(range(x.ndim)), tiling=((8, 128),))
  return jax.experimental.layout.with_layout_constraint(x, lay)


def _bias_layout(x):
  lay = Layout(major_to_minor=tuple(range(x.ndim)), tiling=((1, 128),))
  return jax.experimental.layout.with_layout_constraint(x, lay)


_NC = 2
_NS = 16
_NW = _NC * _NS
_CH = 128
_NPH = 2


def _build(B, V, D):
  b_per_w = B // _NW
  n_ch = b_per_w // _CH
  d_ph = D // _NPH

  mesh = plsc.VectorSubcoreMesh(
      core_axis_name="c", subcore_axis_name="s",
      num_cores=_NC, num_subcores=_NS)

  @functools.partial(
      pl.kernel,
      mesh=mesh,
      compiler_params=pltpu.CompilerParams(use_tc_tiling_on_sc=True),
      out_type=[
          jax.ShapeDtypeStruct((D, B // _CH, _CH), jnp.float32),
          jax.ShapeDtypeStruct((D, B // _CH, _CH), jnp.float32),
          jax.ShapeDtypeStruct((_NW, 4, _CH), jnp.float32),
          jax.ShapeDtypeStruct((_NW, 4, _CH), jnp.float32),
      ],
      scratch_types=[
          pltpu.VMEM((d_ph, n_ch, _CH), jnp.int32),
          pltpu.VMEM((d_ph, n_ch, _CH), jnp.int32),
          pltpu.VMEM((4, _CH), jnp.int32),
          pltpu.VMEM((4, _CH), jnp.int32),
          pltpu.VMEM((d_ph, n_ch, _CH), jnp.float32),
          pltpu.VMEM((d_ph, n_ch, _CH), jnp.float32),
          pltpu.VMEM((4, _CH), jnp.float32),
          pltpu.VMEM((4, _CH), jnp.float32),
          pltpu.SemaphoreType.DMA,
          pltpu.SemaphoreType.DMA,
      ],
  )
  def glove_gather(off_i_hbm, off_j_hbm, idx_i_hbm, idx_j_hbm,
                   wit_hbm, wjt_hbm, bi_hbm, bj_hbm,
                   out_wi, out_wj, out_bi, out_bj,
                   off_i, off_j, idx_i, idx_j,
                   dst_i, dst_j, bv_i, bv_j, sem, bsem):
    wid = lax.axis_index("s") * _NC + lax.axis_index("c")
    pltpu.sync_copy(idx_i_hbm.at[wid], idx_i)
    pltpu.sync_copy(idx_j_hbm.at[wid], idx_j)
    wi_base = wit_hbm.at[0]
    wj_base = wjt_hbm.at[0]
    bias_handles = []
    for c in range(n_ch):
      bias_handles.append(
          pltpu.async_copy(bi_hbm.at[0].at[idx_i.at[c]], bv_i.at[c], bsem))
      bias_handles.append(
          pltpu.async_copy(bj_hbm.at[0].at[idx_j.at[c]], bv_j.at[c], bsem))
    bsel = pl.ds(wid * n_ch, n_ch)
    for ph in range(_NPH):
      fsel = pl.ds(ph * d_ph, d_ph)
      pltpu.sync_copy(off_i_hbm.at[fsel, bsel], off_i)
      pltpu.sync_copy(off_j_hbm.at[fsel, bsel], off_j)

      def fire(s, _):
        c = s // n_ch
        ch = s % n_ch
        pltpu.async_copy(wi_base.at[off_i.at[c].at[ch]],
                         dst_i.at[c].at[ch], sem)
        pltpu.async_copy(wj_base.at[off_j.at[c].at[ch]],
                         dst_j.at[c].at[ch], sem)
        return ()

      lax.fori_loop(0, d_ph * n_ch, fire, (), unroll=False)
      pltpu.make_async_copy(out_wi.at[fsel, bsel], dst_i, sem).wait()
      pltpu.make_async_copy(out_wj.at[fsel, bsel], dst_j, sem).wait()
      pltpu.sync_copy(dst_i, out_wi.at[fsel, bsel])
      pltpu.sync_copy(dst_j, out_wj.at[fsel, bsel])
    for h in bias_handles:
      h.wait()
    pltpu.sync_copy(bv_i, out_bi.at[wid])
    pltpu.sync_copy(bv_j, out_bj.at[wid])

  return glove_gather, n_ch


@jax.jit
def kernel(new_wi, new_wj, wi, wj, bi, bj):
  B = new_wi.shape[0]
  V, D = wi.shape
  fn, n_ch = _build(B, V, D)
  tiles_r = (V + 127) // 128
  c = jnp.arange(D, dtype=jnp.int32)
  col_term = (c // 8) * (tiles_r * 1024) + (c % 8) * 128
  row_term_i = (new_wi // 128) * 1024 + (new_wi % 128)
  row_term_j = (new_wj // 128) * 1024 + (new_wj % 128)
  off_i = (col_term[:, None] + row_term_i[None, :]).reshape(D, B // _CH, _CH)
  off_j = (col_term[:, None] + row_term_j[None, :]).reshape(D, B // _CH, _CH)
  idx_i = new_wi.reshape(_NW, n_ch, _CH)
  idx_j = new_wj.reshape(_NW, n_ch, _CH)
  out_wi, out_wj, out_bi, out_bj = fn(
      off_i, off_j, idx_i, idx_j,
      _tiled_layout(wi.T), _tiled_layout(wj.T),
      _bias_layout(bi.T), _bias_layout(bj.T))
  out_bi = out_bi.reshape(B)
  out_bj = out_bj.reshape(B)
  return (out_wi.reshape(D, B).T, out_wj.reshape(D, B).T, out_bi, out_bj)

# --- scband reference (transcript-rebuilt; emitter-appended) ---
"""Pipeline reference for scband-glove-41824391529046 (READ-ONLY COPY).

The authoritative reference and input builder live on the scoring server;
editing this copy changes nothing except your own understanding.
"""

import jax, jax.numpy as jnp
import numpy as np

V = 1000000
D = 64
B = 16384

def setup_inputs(seed: int = 0) -> dict:
    key = jax.random.key(seed)
    k1, k2, k3, k4, k5, k6 = jax.random.split(key, 6)
    new_wi = jax.random.randint(k1, (B,), 0, V, dtype=jnp.int32)
    new_wj = jax.random.randint(k2, (B,), 0, V, dtype=jnp.int32)
    initrange = 0.1
    wi = jax.random.uniform(k3, (V, D), dtype=jnp.float32, minval=-initrange, maxval=initrange)
    wj = jax.random.uniform(k4, (V, D), dtype=jnp.float32, minval=-initrange, maxval=initrange)
    bi = jax.random.uniform(k5, (V, 1), dtype=jnp.float32, minval=-initrange, maxval=initrange)
    bj = jax.random.uniform(k6, (V, 1), dtype=jnp.float32, minval=-initrange, maxval=initrange)
    return {"new_wi": new_wi, "new_wj": new_wj, "wi": wi, "wj": wj, "bi": bi, "bj": bj}

def reference(new_wi, new_wj, wi, wj, bi, bj):
    out_wi = jnp.take(wi, new_wi, axis=0)
    out_wj = jnp.take(wj, new_wj, axis=0)
    out_bi = jnp.squeeze(jnp.take(bi, new_wi, axis=0), axis=-1)
    out_bj = jnp.squeeze(jnp.take(bj, new_wj, axis=0), axis=-1)
    return (out_wi, out_wj, out_bi, out_bj)

if __name__ == "__main__":
    import jax
    _d = setup_inputs()
    print(jax.jit(kernel)(*tuple(_d.values())))

</pallas_src>

<mosaic_0001>
#map = affine_map<(d0, d1) -> (0, 0, 0)>
#map1 = affine_map<(d0, d1) -> (0, 0)>
module attributes {stable_mosaic.version = 14 : i64} {
  func.func @glove_gather(%arg0: i32, %arg1: i32, %arg2: memref<64x128x128xi32, #tpu.memory_space<hbm>>, %arg3: memref<64x128x128xi32, #tpu.memory_space<hbm>>, %arg4: memref<32x4x128xi32, #tpu.memory_space<hbm>>, %arg5: memref<32x4x128xi32, #tpu.memory_space<hbm>>, %arg6: memref<64x1000000xf32, #tpu.memory_space<hbm>>, %arg7: memref<64x1000000xf32, #tpu.memory_space<hbm>>, %arg8: memref<1x1000000xf32, #tpu.memory_space<hbm>>, %arg9: memref<1x1000000xf32, #tpu.memory_space<hbm>>, %arg10: memref<64x128x128xf32, #tpu.memory_space<hbm>>, %arg11: memref<64x128x128xf32, #tpu.memory_space<hbm>>, %arg12: memref<32x4x128xf32, #tpu.memory_space<hbm>>, %arg13: memref<32x4x128xf32, #tpu.memory_space<hbm>>, %arg14: memref<32x4x128xi32, #tpu.memory_space<vmem>>, %arg15: memref<32x4x128xi32, #tpu.memory_space<vmem>>, %arg16: memref<4x128xi32, #tpu.memory_space<vmem>>, %arg17: memref<4x128xi32, #tpu.memory_space<vmem>>, %arg18: memref<32x4x128xf32, #tpu.memory_space<vmem>>, %arg19: memref<32x4x128xf32, #tpu.memory_space<vmem>>, %arg20: memref<4x128xf32, #tpu.memory_space<vmem>>, %arg21: memref<4x128xf32, #tpu.memory_space<vmem>>, %arg22: memref<!tpu.dma_semaphore, #tpu.memory_space<semaphore_mem>>, %arg23: memref<!tpu.dma_semaphore, #tpu.memory_space<semaphore_mem>>) attributes {dimension_semantics = [#tpu.dimension_semantics<core_parallel>, #tpu.dimension_semantics<subcore_parallel>], iteration_bounds = array<i64: 2, 16>, scalar_prefetch = 0 : i64, scratch_operands = 10 : i64, tpu.core_type = #tpu.core_type<sc_vector_subcore>, window_params = [{transform_indices = #map}, {transform_indices = #map}, {transform_indices = #map}, {transform_indices = #map}, {transform_indices = #map1}, {transform_indices = #map1}, {transform_indices = #map1}, {transform_indices = #map1}, {transform_indices = #map}, {transform_indices = #map}, {transform_indices = #map}, {transform_indices = #map}]} {
    %mul3A = arith.constant 2 : i32
    %mul3A_0 = arith.muli %arg1, %mul3A : i32
    %add3A = arith.addi %mul3A_0, %arg0 : i32
    "tpu.region"() ({
      %run_scoped3A = tpu.sem_alloc : memref<!tpu.dma_semaphore, #tpu.memory_space<semaphore_mem>>
      %dma_start3A_262 = arith.constant 0 : i32
      %dma_start3A_263 = arith.constant 0 : i32
      %dma_start3A_264 = tpu.memref_slice %arg4[%add3A, %dma_start3A_262, %dma_start3A_263] : memref<32x4x128xi32, #tpu.memory_space<hbm>> -> memref<1x4x128xi32, #tpu.memory_space<hbm>>
      %dma_start3A_265 = tpu.memref_squeeze %dma_start3A_264 : memref<1x4x128xi32, #tpu.memory_space<hbm>> -> memref<4x128xi32, #tpu.memory_space<hbm>>
      %dma_start3A_266 = arith.constant 0 : i32
      %dma_start3A_267 = arith.constant 0 : i32
      %dma_start3A_268 = tpu.memref_slice %arg4[%add3A, %dma_start3A_266, %dma_start3A_267] : memref<32x4x128xi32, #tpu.memory_space<hbm>> -> memref<1x4x128xi32, #tpu.memory_space<hbm>>
      %dma_start3A_269 = tpu.memref_squeeze %dma_start3A_268 : memref<1x4x128xi32, #tpu.memory_space<hbm>> -> memref<4x128xi32, #tpu.memory_space<hbm>>
      tpu.enqueue_dma source(%dma_start3A_269 : memref<4x128xi32, #tpu.memory_space<hbm>>) target(%arg16 : memref<4x128xi32, #tpu.memory_space<vmem>>) target_semaphore(%run_scoped3A : memref<!tpu.dma_semaphore, #tpu.memory_space<semaphore_mem>>)
      %dma_wait3A_270 = arith.constant 0 : i32
      %dma_wait3A_271 = arith.constant 0 : i32
      %dma_wait3A_272 = tpu.memref_slice %arg4[%add3A, %dma_wait3A_270, %dma_wait3A_271] : memref<32x4x128xi32, #tpu.memory_space<hbm>> -> memref<1x4x128xi32, #tpu.memory_space<hbm>>
      %dma_wait3A_273 = tpu.memref_squeeze %dma_wait3A_272 : memref<1x4x128xi32, #tpu.memory_space<hbm>> -> memref<4x128xi32, #tpu.memory_space<hbm>>
      %dma_wait3A_274 = arith.constant 0 : i32
      %dma_wait3A_275 = arith.constant 0 : i32
      %dma_wait3A_276 = tpu.memref_slice %arg4[%add3A, %dma_wait3A_274, %dma_wait3A_275] : memref<32x4x128xi32, #tpu.memory_space<hbm>> -> memref<1x4x128xi32, #tpu.memory_space<hbm>>
      %dma_wait3A_277 = tpu.memref_squeeze %dma_wait3A_276 : memref<1x4x128xi32, #tpu.memory_space<hbm>> -> memref<4x128xi32, #tpu.memory_space<hbm>>
      tpu.wait_dma2 semaphore(%run_scoped3A : memref<!tpu.dma_semaphore, #tpu.memory_space<semaphore_mem>>) src(%dma_wait3A_277 : memref<4x128xi32, #tpu.memory_space<hbm>>) dst(%arg16 : memref<4x128xi32, #tpu.memory_space<vmem>>)
      tpu.yield
    }) : () -> ()
    "tpu.region"() ({
      %run_scoped3A = tpu.sem_alloc : memref<!tpu.dma_semaphore, #tpu.memory_space<semaphore_mem>>
      %dma_start3A_262 = arith.constant 0 : i32
      %dma_start3A_263 = arith.constant 0 : i32
      %dma_start3A_264 = tpu.memref_slice %arg5[%add3A, %dma_start3A_262, %dma_start3A_263] : memref<32x4x128xi32, #tpu.memory_space<hbm>> -> memref<1x4x128xi32, #tpu.memory_space<hbm>>
      %dma_start3A_265 = tpu.memref_squeeze %dma_start3A_264 : memref<1x4x128xi32, #tpu.memory_space<hbm>> -> memref<4x128xi32, #tpu.memory_space<hbm>>
      %dma_start3A_266 = arith.constant 0 : i32
      %dma_start3A_267 = arith.constant 0 : i32
      %dma_start3A_268 = tpu.memref_slice %arg5[%add3A, %dma_start3A_266, %dma_start3A_267] : memref<32x4x128xi32, #tpu.memory_space<hbm>> -> memref<1x4x128xi32, #tpu.memory_space<hbm>>
      %dma_start3A_269 = tpu.memref_squeeze %dma_start3A_268 : memref<1x4x128xi32, #tpu.memory_space<hbm>> -> memref<4x128xi32, #tpu.memory_space<hbm>>
      tpu.enqueue_dma source(%dma_start3A_269 : memref<4x128xi32, #tpu.memory_space<hbm>>) target(%arg17 : memref<4x128xi32, #tpu.memory_space<vmem>>) target_semaphore(%run_scoped3A : memref<!tpu.dma_semaphore, #tpu.memory_space<semaphore_mem>>)
      %dma_wait3A_270 = arith.constant 0 : i32
      %dma_wait3A_271 = arith.constant 0 : i32
      %dma_wait3A_272 = tpu.memref_slice %arg5[%add3A, %dma_wait3A_270, %dma_wait3A_271] : memref<32x4x128xi32, #tpu.memory_space<hbm>> -> memref<1x4x128xi32, #tpu.memory_space<hbm>>
      %dma_wait3A_273 = tpu.memref_squeeze %dma_wait3A_272 : memref<1x4x128xi32, #tpu.memory_space<hbm>> -> memref<4x128xi32, #tpu.memory_space<hbm>>
      %dma_wait3A_274 = arith.constant 0 : i32
      %dma_wait3A_275 = arith.constant 0 : i32
      %dma_wait3A_276 = tpu.memref_slice %arg5[%add3A, %dma_wait3A_274, %dma_wait3A_275] : memref<32x4x128xi32, #tpu.memory_space<hbm>> -> memref<1x4x128xi32, #tpu.memory_space<hbm>>
      %dma_wait3A_277 = tpu.memref_squeeze %dma_wait3A_276 : memref<1x4x128xi32, #tpu.memory_space<hbm>> -> memref<4x128xi32, #tpu.memory_space<hbm>>
      tpu.wait_dma2 semaphore(%run_scoped3A : memref<!tpu.dma_semaphore, #tpu.memory_space<semaphore_mem>>) src(%dma_wait3A_277 : memref<4x128xi32, #tpu.memory_space<hbm>>) dst(%arg17 : memref<4x128xi32, #tpu.memory_space<vmem>>)
      tpu.yield
    }) : () -> ()
    %dma_start3A = arith.constant 0 : i32
    %dma_start3A_1 = arith.constant 0 : i32
    %dma_start3A_2 = arith.constant 0 : i32
    %dma_start3A_3 = arith.constant 0 : i32
    %dma_start3A_4 = tpu.memref_slice %arg20[%dma_start3A_2, %dma_start3A_3] : memref<4x128xf32, #tpu.memory_space<vmem>> -> memref<1x128xf32, #tpu.memory_space<vmem>>
    %dma_start3A_5 = tpu.memref_squeeze %dma_start3A_4 : memref<1x128xf32, #tpu.memory_space<vmem>> -> memref<128xf32, #tpu.memory_space<vmem>>
    %dma_start3A_6 = arith.constant 0 : i32
    %dma_start3A_7 = tpu.memref_slice %arg16[%dma_start3A_1, %dma_start3A_6] : memref<4x128xi32, #tpu.memory_space<vmem>> -> memref<1x128xi32, #tpu.memory_space<vmem>>
    %dma_start3A_8 = tpu.memref_squeeze %dma_start3A_7 : memref<1x128xi32, #tpu.memory_space<vmem>> -> memref<128xi32, #tpu.memory_space<vmem>>
    %dma_start3A_9 = arith.constant 0 : i32
    %dma_start3A_10 = tpu.memref_slice %arg8[%dma_start3A, %dma_start3A_9] : memref<1x1000000xf32, #tpu.memory_space<hbm>> -> memref<1x1000000xf32, #tpu.memory_space<hbm>>
    %dma_start3A_11 = tpu.memref_squeeze %dma_start3A_10 : memref<1x1000000xf32, #tpu.memory_space<hbm>> -> memref<1000000xf32, #tpu.memory_space<hbm>>
    %dma_start3A_12 = arith.constant 0 : i32
    %dma_start3A_13 = tpu.memref_slice %dma_start3A_11[%dma_start3A_12] : memref<1000000xf32, #tpu.memory_space<hbm>> -> memref<1000000xf32, #tpu.memory_space<hbm>>
    tpu.enqueue_indirect_dma source(%dma_start3A_13 : memref<1000000xf32, #tpu.memory_space<hbm>>) target(%dma_start3A_5 : memref<128xf32, #tpu.memory_space<vmem>>) offsets(%dma_start3A_8 : memref<128xi32, #tpu.memory_space<vmem>>) semaphore(%arg23 : memref<!tpu.dma_semaphore, #tpu.memory_space<semaphore_mem>>)
    %dma_start3A_14 = arith.constant 0 : i32
    %dma_start3A_15 = arith.constant 0 : i32
    %dma_start3A_16 = arith.constant 0 : i32
    %dma_start3A_17 = arith.constant 0 : i32
    %dma_start3A_18 = tpu.memref_slice %arg21[%dma_start3A_16, %dma_start3A_17] : memref<4x128xf32, #tpu.memory_space<vmem>> -> memref<1x128xf32, #tpu.memory_space<vmem>>
    %dma_start3A_19 = tpu.memref_squeeze %dma_start3A_18 : memref<1x128xf32, #tpu.memory_space<vmem>> -> memref<128xf32, #tpu.memory_space<vmem>>
    %dma_start3A_20 = arith.constant 0 : i32
    %dma_start3A_21 = tpu.memref_slice %arg17[%dma_start3A_15, %dma_start3A_20] : memref<4x128xi32, #tpu.memory_space<vmem>> -> memref<1x128xi32, #tpu.memory_space<vmem>>
    %dma_start3A_22 = tpu.memref_squeeze %dma_start3A_21 : memref<1x128xi32, #tpu.memory_space<vmem>> -> memref<128xi32, #tpu.memory_space<vmem>>
    %dma_start3A_23 = arith.constant 0 : i32
    %dma_start3A_24 = tpu.memref_slice %arg9[%dma_start3A_14, %dma_start3A_23] : memref<1x1000000xf32, #tpu.memory_space<hbm>> -> memref<1x1000000xf32, #tpu.memory_space<hbm>>
    %dma_start3A_25 = tpu.memref_squeeze %dma_start3A_24 : memref<1x1000000xf32, #tpu.memory_space<hbm>> -> memref<1000000xf32, #tpu.memory_space<hbm>>
    %dma_start3A_26 = arith.constant 0 : i32
    %dma_start3A_27 = tpu.memref_slice %dma_start3A_25[%dma_start3A_26] : memref<1000000xf32, #tpu.memory_space<hbm>> -> memref<1000000xf32, #tpu.memory_space<hbm>>
    tpu.enqueue_indirect_dma source(%dma_start3A_27 : memref<1000000xf32, #tpu.memory_space<hbm>>) target(%dma_start3A_19 : memref<128xf32, #tpu.memory_space<vmem>>) offsets(%dma_start3A_22 : memref<128xi32, #tpu.memory_space<vmem>>) semaphore(%arg23 : memref<!tpu.dma_semaphore, #tpu.memory_space<semaphore_mem>>)
    %dma_start3A_28 = arith.constant 0 : i32
    %dma_start3A_29 = arith.constant 1 : i32
    %dma_start3A_30 = arith.constant 1 : i32
    %dma_start3A_31 = arith.constant 0 : i32
    %dma_start3A_32 = tpu.memref_slice %arg20[%dma_start3A_30, %dma_start3A_31] : memref<4x128xf32, #tpu.memory_space<vmem>> -> memref<1x128xf32, #tpu.memory_space<vmem>>
    %dma_start3A_33 = tpu.memref_squeeze %dma_start3A_32 : memref<1x128xf32, #tpu.memory_space<vmem>> -> memref<128xf32, #tpu.memory_space<vmem>>
    %dma_start3A_34 = arith.constant 0 : i32
    %dma_start3A_35 = tpu.memref_slice %arg16[%dma_start3A_29, %dma_start3A_34] : memref<4x128xi32, #tpu.memory_space<vmem>> -> memref<1x128xi32, #tpu.memory_space<vmem>>
    %dma_start3A_36 = tpu.memref_squeeze %dma_start3A_35 : memref<1x128xi32, #tpu.memory_space<vmem>> -> memref<128xi32, #tpu.memory_space<vmem>>
    %dma_start3A_37 = arith.constant 0 : i32
    %dma_start3A_38 = tpu.memref_slice %arg8[%dma_start3A_28, %dma_start3A_37] : memref<1x1000000xf32, #tpu.memory_space<hbm>> -> memref<1x1000000xf32, #tpu.memory_space<hbm>>
    %dma_start3A_39 = tpu.memref_squeeze %dma_start3A_38 : memref<1x1000000xf32, #tpu.memory_space<hbm>> -> memref<1000000xf32, #tpu.memory_space<hbm>>
    %dma_start3A_40 = arith.constant 0 : i32
    %dma_start3A_41 = tpu.memref_slice %dma_start3A_39[%dma_start3A_40] : memref<1000000xf32, #tpu.memory_space<hbm>> -> memref<1000000xf32, #tpu.memory_space<hbm>>
    tpu.enqueue_indirect_dma source(%dma_start3A_41 : memref<1000000xf32, #tpu.memory_space<hbm>>) target(%dma_start3A_33 : memref<128xf32, #tpu.memory_space<vmem>>) offsets(%dma_start3A_36 : memref<128xi32, #tpu.memory_space<vmem>>) semaphore(%arg23 : memref<!tpu.dma_semaphore, #tpu.memory_space<semaphore_mem>>)
    %dma_start3A_42 = arith.constant 0 : i32
    %dma_start3A_43 = arith.constant 1 : i32
    %dma_start3A_44 = arith.constant 1 : i32
    %dma_start3A_45 = arith.constant 0 : i32
    %dma_start3A_46 = tpu.memref_slice %arg21[%dma_start3A_44, %dma_start3A_45] : memref<4x128xf32, #tpu.memory_space<vmem>> -> memref<1x128xf32, #tpu.memory_space<vmem>>
    %dma_start3A_47 = tpu.memref_squeeze %dma_start3A_46 : memref<1x128xf32, #tpu.memory_space<vmem>> -> memref<128xf32, #tpu.memory_space<vmem>>
    %dma_start3A_48 = arith.constant 0 : i32
    %dma_start3A_49 = tpu.memref_slice %arg17[%dma_start3A_43, %dma_start3A_48] : memref<4x128xi32, #tpu.memory_space<vmem>> -> memref<1x128xi32, #tpu.memory_space<vmem>>
    %dma_start3A_50 = tpu.memref_squeeze %dma_start3A_49 : memref<1x128xi32, #tpu.memory_space<vmem>> -> memref<128xi32, #tpu.memory_space<vmem>>
    %dma_start3A_51 = arith.constant 0 : i32
    %dma_start3A_52 = tpu.memref_slice %arg9[%dma_start3A_42, %dma_start3A_51] : memref<1x1000000xf32, #tpu.memory_space<hbm>> -> memref<1x1000000xf32, #tpu.memory_space<hbm>>
    %dma_start3A_53 = tpu.memref_squeeze %dma_start3A_52 : memref<1x1000000xf32, #tpu.memory_space<hbm>> -> memref<1000000xf32, #tpu.memory_space<hbm>>
    %dma_start3A_54 = arith.constant 0 : i32
    %dma_start3A_55 = tpu.memref_slice %dma_start3A_53[%dma_start3A_54] : memref<1000000xf32, #tpu.memory_space<hbm>> -> memref<1000000xf32, #tpu.memory_space<hbm>>
    tpu.enqueue_indirect_dma source(%dma_start3A_55 : memref<1000000xf32, #tpu.memory_space<hbm>>) target(%dma_start3A_47 : memref<128xf32, #tpu.memory_space<vmem>>) offsets(%dma_start3A_50 : memref<128xi32, #tpu.memory_space<vmem>>) semaphore(%arg23 : memref<!tpu.dma_semaphore, #tpu.memory_space<semaphore_mem>>)
    %dma_start3A_56 = arith.constant 0 : i32
    %dma_start3A_57 = arith.constant 2 : i32
    %dma_start3A_58 = arith.constant 2 : i32
    %dma_start3A_59 = arith.constant 0 : i32
    %dma_start3A_60 = tpu.memref_slice %arg20[%dma_start3A_58, %dma_start3A_59] : memref<4x128xf32, #tpu.memory_space<vmem>> -> memref<1x128xf32, #tpu.memory_space<vmem>>
    %dma_start3A_61 = tpu.memref_squeeze %dma_start3A_60 : memref<1x128xf32, #tpu.memory_space<vmem>> -> memref<128xf32, #tpu.memory_space<vmem>>
    %dma_start3A_62 = arith.constant 0 : i32
    %dma_start3A_63 = tpu.memref_slice %arg16[%dma_start3A_57, %dma_start3A_62] : memref<4x128xi32, #tpu.memory_space<vmem>> -> memref<1x128xi32, #tpu.memory_space<vmem>>
    %dma_start3A_64 = tpu.memref_squeeze %dma_start3A_63 : memref<1x128xi32, #tpu.memory_space<vmem>> -> memref<128xi32, #tpu.memory_space<vmem>>
    %dma_start3A_65 = arith.constant 0 : i32
    %dma_start3A_66 = tpu.memref_slice %arg8[%dma_start3A_56, %dma_start3A_65] : memref<1x1000000xf32, #tpu.memory_space<hbm>> -> memref<1x1000000xf32, #tpu.memory_space<hbm>>
    %dma_start3A_67 = tpu.memref_squeeze %dma_start3A_66 : memref<1x1000000xf32, #tpu.memory_space<hbm>> -> memref<1000000xf32, #tpu.memory_space<hbm>>
    %dma_start3A_68 = arith.constant 0 : i32
    %dma_start3A_69 = tpu.memref_slice %dma_start3A_67[%dma_start3A_68] : memref<1000000xf32, #tpu.memory_space<hbm>> -> memref<1000000xf32, #tpu.memory_space<hbm>>
    tpu.enqueue_indirect_dma source(%dma_start3A_69 : memref<1000000xf32, #tpu.memory_space<hbm>>) target(%dma_start3A_61 : memref<128xf32, #tpu.memory_space<vmem>>) offsets(%dma_start3A_64 : memref<128xi32, #tpu.memory_space<vmem>>) semaphore(%arg23 : memref<!tpu.dma_semaphore, #tpu.memory_space<semaphore_mem>>)
    %dma_start3A_70 = arith.constant 0 : i32
    %dma_start3A_71 = arith.constant 2 : i32
    %dma_start3A_72 = arith.constant 2 : i32
    %dma_start3A_73 = arith.constant 0 : i32
    %dma_start3A_74 = tpu.memref_slice %arg21[%dma_start3A_72, %dma_start3A_73] : memref<4x128xf32, #tpu.memory_space<vmem>> -> memref<1x128xf32, #tpu.memory_space<vmem>>
    %dma_start3A_75 = tpu.memref_squeeze %dma_start3A_74 : memref<1x128xf32, #tpu.memory_space<vmem>> -> memref<128xf32, #tpu.memory_space<vmem>>
    %dma_start3A_76 = arith.constant 0 : i32
    %dma_start3A_77 = tpu.memref_slice %arg17[%dma_start3A_71, %dma_start3A_76] : memref<4x128xi32, #tpu.memory_space<vmem>> -> memref<1x128xi32, #tpu.memory_space<vmem>>
    %dma_start3A_78 = tpu.memref_squeeze %dma_start3A_77 : memref<1x128xi32, #tpu.memory_space<vmem>> -> memref<128xi32, #tpu.memory_space<vmem>>
    %dma_start3A_79 = arith.constant 0 : i32
    %dma_start3A_80 = tpu.memref_slice %arg9[%dma_start3A_70, %dma_start3A_79] : memref<1x1000000xf32, #tpu.memory_space<hbm>> -> memref<1x1000000xf32, #tpu.memory_space<hbm>>
    %dma_start3A_81 = tpu.memref_squeeze %dma_start3A_80 : memref<1x1000000xf32, #tpu.memory_space<hbm>> -> memref<1000000xf32, #tpu.memory_space<hbm>>
    %dma_start3A_82 = arith.constant 0 : i32
    %dma_start3A_83 = tpu.memref_slice %dma_start3A_81[%dma_start3A_82] : memref<1000000xf32, #tpu.memory_space<hbm>> -> memref<1000000xf32, #tpu.memory_space<hbm>>
    tpu.enqueue_indirect_dma source(%dma_start3A_83 : memref<1000000xf32, #tpu.memory_space<hbm>>) target(%dma_start3A_75 : memref<128xf32, #tpu.memory_space<vmem>>) offsets(%dma_start3A_78 : memref<128xi32, #tpu.memory_space<vmem>>) semaphore(%arg23 : memref<!tpu.dma_semaphore, #tpu.memory_space<semaphore_mem>>)
    %dma_start3A_84 = arith.constant 0 : i32
    %dma_start3A_85 = arith.constant 3 : i32
    %dma_start3A_86 = arith.constant 3 : i32
    %dma_start3A_87 = arith.constant 0 : i32
    %dma_start3A_88 = tpu.memref_slice %arg20[%dma_start3A_86, %dma_start3A_87] : memref<4x128xf32, #tpu.memory_space<vmem>> -> memref<1x128xf32, #tpu.memory_space<vmem>>
    %dma_start3A_89 = tpu.memref_squeeze %dma_start3A_88 : memref<1x128xf32, #tpu.memory_space<vmem>> -> memref<128xf32, #tpu.memory_space<vmem>>
    %dma_start3A_90 = arith.constant 0 : i32
    %dma_start3A_91 = tpu.memref_slice %arg16[%dma_start3A_85, %dma_start3A_90] : memref<4x128xi32, #tpu.memory_space<vmem>> -> memref<1x128xi32, #tpu.memory_space<vmem>>
    %dma_start3A_92 = tpu.memref_squeeze %dma_start3A_91 : memref<1x128xi32, #tpu.memory_space<vmem>> -> memref<128xi32, #tpu.memory_space<vmem>>
    %dma_start3A_93 = arith.constant 0 : i32
    %dma_start3A_94 = tpu.memref_slice %arg8[%dma_start3A_84, %dma_start3A_93] : memref<1x1000000xf32, #tpu.memory_space<hbm>> -> memref<1x1000000xf32, #tpu.memory_space<hbm>>
    %dma_start3A_95 = tpu.memref_squeeze %dma_start3A_94 : memref<1x1000000xf32, #tpu.memory_space<hbm>> -> memref<1000000xf32, #tpu.memory_space<hbm>>
    %dma_start3A_96 = arith.constant 0 : i32
    %dma_start3A_97 = tpu.memref_slice %dma_start3A_95[%dma_start3A_96] : memref<1000000xf32, #tpu.memory_space<hbm>> -> memref<1000000xf32, #tpu.memory_space<hbm>>
    tpu.enqueue_indirect_dma source(%dma_start3A_97 : memref<1000000xf32, #tpu.memory_space<hbm>>) target(%dma_start3A_89 : memref<128xf32, #tpu.memory_space<vmem>>) offsets(%dma_start3A_92 : memref<128xi32, #tpu.memory_space<vmem>>) semaphore(%arg23 : memref<!tpu.dma_semaphore, #tpu.memory_space<semaphore_mem>>)
    %dma_start3A_98 = arith.constant 0 : i32
    %dma_start3A_99 = arith.constant 3 : i32
    %dma_start3A_100 = arith.constant 3 : i32
    %dma_start3A_101 = arith.constant 0 : i32
    %dma_start3A_102 = tpu.memref_slice %arg21[%dma_start3A_100, %dma_start3A_101] : memref<4x128xf32, #tpu.memory_space<vmem>> -> memref<1x128xf32, #tpu.memory_space<vmem>>
    %dma_start3A_103 = tpu.memref_squeeze %dma_start3A_102 : memref<1x128xf32, #tpu.memory_space<vmem>> -> memref<128xf32, #tpu.memory_space<vmem>>
    %dma_start3A_104 = arith.constant 0 : i32
    %dma_start3A_105 = tpu.memref_slice %arg17[%dma_start3A_99, %dma_start3A_104] : memref<4x128xi32, #tpu.memory_space<vmem>> -> memref<1x128xi32, #tpu.memory_space<vmem>>
    %dma_start3A_106 = tpu.memref_squeeze %dma_start3A_105 : memref<1x128xi32, #tpu.memory_space<vmem>> -> memref<128xi32, #tpu.memory_space<vmem>>
    %dma_start3A_107 = arith.constant 0 : i32
    %dma_start3A_108 = tpu.memref_slice %arg9[%dma_start3A_98, %dma_start3A_107] : memref<1x1000000xf32, #tpu.memory_space<hbm>> -> memref<1x1000000xf32, #tpu.memory_space<hbm>>
    %dma_start3A_109 = tpu.memref_squeeze %dma_start3A_108 : memref<1x1000000xf32, #tpu.memory_space<hbm>> -> memref<1000000xf32, #tpu.memory_space<hbm>>
    %dma_start3A_110 = arith.constant 0 : i32
    %dma_start3A_111 = tpu.memref_slice %dma_start3A_109[%dma_start3A_110] : memref<1000000xf32, #tpu.memory_space<hbm>> -> memref<1000000xf32, #tpu.memory_space<hbm>>
    tpu.enqueue_indirect_dma source(%dma_start3A_111 : memref<1000000xf32, #tpu.memory_space<hbm>>) target(%dma_start3A_103 : memref<128xf32, #tpu.memory_space<vmem>>) offsets(%dma_start3A_106 : memref<128xi32, #tpu.memory_space<vmem>>) semaphore(%arg23 : memref<!tpu.dma_semaphore, #tpu.memory_space<semaphore_mem>>)
    %mul3A_112 = arith.constant 4 : i32
    %mul3A_113 = arith.muli %add3A, %mul3A_112 : i32
    "tpu.region"() ({
      %run_scoped3A = tpu.sem_alloc : memref<!tpu.dma_semaphore, #tpu.memory_space<semaphore_mem>>
      %dma_start3A_262 = arith.constant 0 : i32
      %dma_start3A_263 = arith.constant 0 : i32
      %dma_start3A_264 = tpu.memref_slice %arg2[%dma_start3A_262, %mul3A_113, %dma_start3A_263] : memref<64x128x128xi32, #tpu.memory_space<hbm>> -> memref<32x4x128xi32, #tpu.memory_space<hbm>>
      %dma_start3A_265 = arith.constant 0 : i32
      %dma_start3A_266 = arith.constant 0 : i32
      %dma_start3A_267 = tpu.memref_slice %arg2[%dma_start3A_265, %mul3A_113, %dma_start3A_266] : memref<64x128x128xi32, #tpu.memory_space<hbm>> -> memref<32x4x128xi32, #tpu.memory_space<hbm>>
      tpu.enqueue_dma source(%dma_start3A_267 : memref<32x4x128xi32, #tpu.memory_space<hbm>>) target(%arg14 : memref<32x4x128xi32, #tpu.memory_space<vmem>>) target_semaphore(%run_scoped3A : memref<!tpu.dma_semaphore, #tpu.memory_space<semaphore_mem>>)
      %dma_wait3A_268 = arith.constant 0 : i32
      %dma_wait3A_269 = arith.constant 0 : i32
      %dma_wait3A_270 = tpu.memref_slice %arg2[%dma_wait3A_268, %mul3A_113, %dma_wait3A_269] : memref<64x128x128xi32, #tpu.memory_space<hbm>> -> memref<32x4x128xi32, #tpu.memory_space<hbm>>
      %dma_wait3A_271 = arith.constant 0 : i32
      %dma_wait3A_272 = arith.constant 0 : i32
      %dma_wait3A_273 = tpu.memref_slice %arg2[%dma_wait3A_271, %mul3A_113, %dma_wait3A_272] : memref<64x128x128xi32, #tpu.memory_space<hbm>> -> memref<32x4x128xi32, #tpu.memory_space<hbm>>
      tpu.wait_dma2 semaphore(%run_scoped3A : memref<!tpu.dma_semaphore, #tpu.memory_space<semaphore_mem>>) src(%dma_wait3A_273 : memref<32x4x128xi32, #tpu.memory_space<hbm>>) dst(%arg14 : memref<32x4x128xi32, #tpu.memory_space<vmem>>)
      tpu.yield
    }) : () -> ()
    "tpu.region"() ({
      %run_scoped3A = tpu.sem_alloc : memref<!tpu.dma_semaphore, #tpu.memory_space<semaphore_mem>>
      %dma_start3A_262 = arith.constant 0 : i32
      %dma_start3A_263 = arith.constant 0 : i32
      %dma_start3A_264 = tpu.memref_slice %arg3[%dma_start3A_262, %mul3A_113, %dma_start3A_263] : memref<64x128x128xi32, #tpu.memory_space<hbm>> -> memref<32x4x128xi32, #tpu.memory_space<hbm>>
      %dma_start3A_265 = arith.constant 0 : i32
      %dma_start3A_266 = arith.constant 0 : i32
      %dma_start3A_267 = tpu.memref_slice %arg3[%dma_start3A_265, %mul3A_113, %dma_start3A_266] : memref<64x128x128xi32, #tpu.memory_space<hbm>> -> memref<32x4x128xi32, #tpu.memory_space<hbm>>
      tpu.enqueue_dma source(%dma_start3A_267 : memref<32x4x128xi32, #tpu.memory_space<hbm>>) target(%arg15 : memref<32x4x128xi32, #tpu.memory_space<vmem>>) target_semaphore(%run_scoped3A : memref<!tpu.dma_semaphore, #tpu.memory_space<semaphore_mem>>)
      %dma_wait3A_268 = arith.constant 0 : i32
      %dma_wait3A_269 = arith.constant 0 : i32
      %dma_wait3A_270 = tpu.memref_slice %arg3[%dma_wait3A_268, %mul3A_113, %dma_wait3A_269] : memref<64x128x128xi32, #tpu.memory_space<hbm>> -> memref<32x4x128xi32, #tpu.memory_space<hbm>>
      %dma_wait3A_271 = arith.constant 0 : i32
      %dma_wait3A_272 = arith.constant 0 : i32
      %dma_wait3A_273 = tpu.memref_slice %arg3[%dma_wait3A_271, %mul3A_113, %dma_wait3A_272] : memref<64x128x128xi32, #tpu.memory_space<hbm>> -> memref<32x4x128xi32, #tpu.memory_space<hbm>>
      tpu.wait_dma2 semaphore(%run_scoped3A : memref<!tpu.dma_semaphore, #tpu.memory_space<semaphore_mem>>) src(%dma_wait3A_273 : memref<32x4x128xi32, #tpu.memory_space<hbm>>) dst(%arg15 : memref<32x4x128xi32, #tpu.memory_space<vmem>>)
      tpu.yield
    }) : () -> ()
    %scan3A = arith.constant 0 : i32
    %scan3A_114 = arith.constant 0 : i32
    %scan3A_115 = arith.constant 0 : i32
    %scan3A_116 = arith.constant 128 : i32
    %scan3A_117 = arith.addi %scan3A_115, %scan3A_116 : i32
    %scan3A_118 = arith.constant 1 : i32
    scf.for %scan3A_262 = %scan3A_115 to %scan3A_117 step %scan3A_118  : i32 {
      %jit3A = arith.constant 4 : i32
      %div3A = arith.divsi %scan3A_262, %jit3A : i32
      %sign3A = arith.constant 0 : i32
      %sign3A_263 = arith.cmpi sgt, %scan3A_262, %sign3A : i32
      %sign3A_264 = arith.extui %sign3A_263 : i1 to i32
      %sign3A_265 = arith.constant 0 : i32
      %sign3A_266 = arith.cmpi slt, %scan3A_262, %sign3A_265 : i32
      %sign3A_267 = arith.extui %sign3A_266 : i1 to i32
      %sign3A_268 = arith.subi %sign3A_264, %sign3A_267 : i32
      %sign3A_269 = arith.constant 0 : i32
      %sign3A_270 = arith.cmpi sgt, %jit3A, %sign3A_269 : i32
      %sign3A_271 = arith.extui %sign3A_270 : i1 to i32
      %sign3A_272 = arith.constant 0 : i32
      %sign3A_273 = arith.cmpi slt, %jit3A, %sign3A_272 : i32
      %sign3A_274 = arith.extui %sign3A_273 : i1 to i32
      %sign3A_275 = arith.subi %sign3A_271, %sign3A_274 : i32
      %ne3A = arith.cmpi ne, %sign3A_268, %sign3A_275 : i32
      %rem3A = arith.remsi %scan3A_262, %jit3A : i32
      %ne3A_276 = arith.constant 0 : i32
      %ne3A_277 = arith.cmpi ne, %rem3A, %ne3A_276 : i32
      %and3A = arith.andi %ne3A, %ne3A_277 : i1
      %sub3A = arith.constant 1 : i32
      %sub3A_278 = arith.subi %div3A, %sub3A : i32
      %select_n3A = arith.select %and3A, %sub3A_278, %div3A : i32
      %jit3A_279 = arith.constant 4 : i32
      %eq3A = arith.constant 0 : i32
      %eq3A_280 = arith.cmpi eq, %jit3A_279, %eq3A : i32
      %jit3A_281 = arith.constant 1 : i32
      %select_n3A_282 = arith.select %eq3A_280, %jit3A_281, %jit3A_279 : i32
      %rem3A_283 = arith.remsi %scan3A_262, %select_n3A_282 : i32
      %ne3A_284 = arith.constant 0 : i32
      %ne3A_285 = arith.cmpi ne, %rem3A_283, %ne3A_284 : i32
      %lt3A = arith.constant 0 : i32
      %lt3A_286 = arith.cmpi slt, %rem3A_283, %lt3A : i32
      %lt3A_287 = arith.constant 0 : i32
      %lt3A_288 = arith.cmpi slt, %select_n3A_282, %lt3A_287 : i32
      %ne3A_289 = arith.xori %lt3A_286, %lt3A_288 : i1
      %and3A_290 = arith.andi %ne3A_289, %ne3A_285 : i1
      %add3A_291 = arith.addi %rem3A_283, %select_n3A_282 : i32
      %select_n3A_292 = arith.select %and3A_290, %add3A_291, %rem3A_283 : i32
      %dma_start3A_293 = arith.constant 0 : i32
      %dma_start3A_294 = arith.constant 0 : i32
      %dma_start3A_295 = tpu.memref_slice %arg18[%select_n3A, %dma_start3A_293, %dma_start3A_294] : memref<32x4x128xf32, #tpu.memory_space<vmem>> -> memref<1x4x128xf32, #tpu.memory_space<vmem>>
      %dma_start3A_296 = tpu.memref_squeeze %dma_start3A_295 : memref<1x4x128xf32, #tpu.memory_space<vmem>> -> memref<4x128xf32, #tpu.memory_space<vmem>>
      %dma_start3A_297 = arith.constant 0 : i32
      %dma_start3A_298 = tpu.memref_slice %dma_start3A_296[%select_n3A_292, %dma_start3A_297] : memref<4x128xf32, #tpu.memory_space<vmem>> -> memref<1x128xf32, #tpu.memory_space<vmem>>
      %dma_start3A_299 = tpu.memref_squeeze %dma_start3A_298 : memref<1x128xf32, #tpu.memory_space<vmem>> -> memref<128xf32, #tpu.memory_space<vmem>>
      %dma_start3A_300 = arith.constant 0 : i32
      %dma_start3A_301 = arith.constant 0 : i32
      %dma_start3A_302 = tpu.memref_slice %arg14[%select_n3A, %dma_start3A_300, %dma_start3A_301] : memref<32x4x128xi32, #tpu.memory_space<vmem>> -> memref<1x4x128xi32, #tpu.memory_space<vmem>>
      %dma_start3A_303 = tpu.memref_squeeze %dma_start3A_302 : memref<1x4x128xi32, #tpu.memory_space<vmem>> -> memref<4x128xi32, #tpu.memory_space<vmem>>
      %dma_start3A_304 = arith.constant 0 : i32
      %dma_start3A_305 = tpu.memref_slice %dma_start3A_303[%select_n3A_292, %dma_start3A_304] : memref<4x128xi32, #tpu.memory_space<vmem>> -> memref<1x128xi32, #tpu.memory_space<vmem>>
      %dma_start3A_306 = tpu.memref_squeeze %dma_start3A_305 : memref<1x128xi32, #tpu.memory_space<vmem>> -> memref<128xi32, #tpu.memory_space<vmem>>
      %dma_start3A_307 = arith.constant 0 : i32
      %dma_start3A_308 = tpu.memref_slice %arg6[%scan3A, %dma_start3A_307] : memref<64x1000000xf32, #tpu.memory_space<hbm>> -> memref<1x1000000xf32, #tpu.memory_space<hbm>>
      %dma_start3A_309 = tpu.memref_squeeze %dma_start3A_308 : memref<1x1000000xf32, #tpu.memory_space<hbm>> -> memref<1000000xf32, #tpu.memory_space<hbm>>
      %dma_start3A_310 = arith.constant 0 : i32
      %dma_start3A_311 = tpu.memref_slice %dma_start3A_309[%dma_start3A_310] : memref<1000000xf32, #tpu.memory_space<hbm>> -> memref<1000000xf32, #tpu.memory_space<hbm>>
      tpu.enqueue_indirect_dma source(%dma_start3A_311 : memref<1000000xf32, #tpu.memory_space<hbm>>) target(%dma_start3A_299 : memref<128xf32, #tpu.memory_space<vmem>>) offsets(%dma_start3A_306 : memref<128xi32, #tpu.memory_space<vmem>>) semaphore(%arg22 : memref<!tpu.dma_semaphore, #tpu.memory_space<semaphore_mem>>)
      %dma_start3A_312 = arith.constant 0 : i32
      %dma_start3A_313 = arith.constant 0 : i32
      %dma_start3A_314 = tpu.memref_slice %arg19[%select_n3A, %dma_start3A_312, %dma_start3A_313] : memref<32x4x128xf32, #tpu.memory_space<vmem>> -> memref<1x4x128xf32, #tpu.memory_space<vmem>>
      %dma_start3A_315 = tpu.memref_squeeze %dma_start3A_314 : memref<1x4x128xf32, #tpu.memory_space<vmem>> -> memref<4x128xf32, #tpu.memory_space<vmem>>
      %dma_start3A_316 = arith.constant 0 : i32
      %dma_start3A_317 = tpu.memref_slice %dma_start3A_315[%select_n3A_292, %dma_start3A_316] : memref<4x128xf32, #tpu.memory_space<vmem>> -> memref<1x128xf32, #tpu.memory_space<vmem>>
      %dma_start3A_318 = tpu.memref_squeeze %dma_start3A_317 : memref<1x128xf32, #tpu.memory_space<vmem>> -> memref<128xf32, #tpu.memory_space<vmem>>
      %dma_start3A_319 = arith.constant 0 : i32
      %dma_start3A_320 = arith.constant 0 : i32
      %dma_start3A_321 = tpu.memref_slice %arg15[%select_n3A, %dma_start3A_319, %dma_start3A_320] : memref<32x4x128xi32, #tpu.memory_space<vmem>> -> memref<1x4x128xi32, #tpu.memory_space<vmem>>
      %dma_start3A_322 = tpu.memref_squeeze %dma_start3A_321 : memref<1x4x128xi32, #tpu.memory_space<vmem>> -> memref<4x128xi32, #tpu.memory_space<vmem>>
      %dma_start3A_323 = arith.constant 0 : i32
      %dma_start3A_324 = tpu.memref_slice %dma_start3A_322[%select_n3A_292, %dma_start3A_323] : memref<4x128xi32, #tpu.memory_space<vmem>> -> memref<1x128xi32, #tpu.memory_space<vmem>>
      %dma_start3A_325 = tpu.memref_squeeze %dma_start3A_324 : memref<1x128xi32, #tpu.memory_space<vmem>> -> memref<128xi32, #tpu.memory_space<vmem>>
      %dma_start3A_326 = arith.constant 0 : i32
      %dma_start3A_327 = tpu.memref_slice %arg7[%scan3A_114, %dma_start3A_326] : memref<64x1000000xf32, #tpu.memory_space<hbm>> -> memref<1x1000000xf32, #tpu.memory_space<hbm>>
      %dma_start3A_328 = tpu.memref_squeeze %dma_start3A_327 : memref<1x1000000xf32, #tpu.memory_space<hbm>> -> memref<1000000xf32, #tpu.memory_space<hbm>>
      %dma_start3A_329 = arith.constant 0 : i32
      %dma_start3A_330 = tpu.memref_slice %dma_start3A_328[%dma_start3A_329] : memref<1000000xf32, #tpu.memory_space<hbm>> -> memref<1000000xf32, #tpu.memory_space<hbm>>
      tpu.enqueue_indirect_dma source(%dma_start3A_330 : memref<1000000xf32, #tpu.memory_space<hbm>>) target(%dma_start3A_318 : memref<128xf32, #tpu.memory_space<vmem>>) offsets(%dma_start3A_325 : memref<128xi32, #tpu.memory_space<vmem>>) semaphore(%arg22 : memref<!tpu.dma_semaphore, #tpu.memory_space<semaphore_mem>>)
    }
    %scan3A_119 = arith.constant 128 : i32
    %dma_wait3A = arith.constant 0 : i32
    %dma_wait3A_120 = arith.constant 0 : i32
    %dma_wait3A_121 = tpu.memref_slice %arg10[%dma_wait3A, %mul3A_113, %dma_wait3A_120] : memref<64x128x128xf32, #tpu.memory_space<hbm>> -> memref<32x4x128xf32, #tpu.memory_space<hbm>>
    %dma_wait3A_122 = arith.constant 0 : i32
    %dma_wait3A_123 = arith.constant 0 : i32
    %dma_wait3A_124 = tpu.memref_slice %arg10[%dma_wait3A_122, %mul3A_113, %dma_wait3A_123] : memref<64x128x128xf32, #tpu.memory_space<hbm>> -> memref<32x4x128xf32, #tpu.memory_space<hbm>>
    tpu.wait_dma2 semaphore(%arg22 : memref<!tpu.dma_semaphore, #tpu.memory_space<semaphore_mem>>) src(%dma_wait3A_124 : memref<32x4x128xf32, #tpu.memory_space<hbm>>) dst(%arg18 : memref<32x4x128xf32, #tpu.memory_space<vmem>>)
    %dma_wait3A_125 = arith.constant 0 : i32
    %dma_wait3A_126 = arith.constant 0 : i32
    %dma_wait3A_127 = tpu.memref_slice %arg11[%dma_wait3A_125, %mul3A_113, %dma_wait3A_126] : memref<64x128x128xf32, #tpu.memory_space<hbm>> -> memref<32x4x128xf32, #tpu.memory_space<hbm>>
    %dma_wait3A_128 = arith.constant 0 : i32
    %dma_wait3A_129 = arith.constant 0 : i32
    %dma_wait3A_130 = tpu.memref_slice %arg11[%dma_wait3A_128, %mul3A_113, %dma_wait3A_129] : memref<64x128x128xf32, #tpu.memory_space<hbm>> -> memref<32x4x128xf32, #tpu.memory_space<hbm>>
    tpu.wait_dma2 semaphore(%arg22 : memref<!tpu.dma_semaphore, #tpu.memory_space<semaphore_mem>>) src(%dma_wait3A_130 : memref<32x4x128xf32, #tpu.memory_space<hbm>>) dst(%arg19 : memref<32x4x128xf32, #tpu.memory_space<vmem>>)
    "tpu.region"() ({
      %run_scoped3A = tpu.sem_alloc : memref<!tpu.dma_semaphore, #tpu.memory_space<semaphore_mem>>
      %dma_start3A_262 = arith.constant 0 : i32
      %dma_start3A_263 = arith.constant 0 : i32
      %dma_start3A_264 = tpu.memref_slice %arg10[%dma_start3A_262, %mul3A_113, %dma_start3A_263] : memref<64x128x128xf32, #tpu.memory_space<hbm>> -> memref<32x4x128xf32, #tpu.memory_space<hbm>>
      %dma_start3A_265 = arith.constant 0 : i32
      %dma_start3A_266 = arith.constant 0 : i32
      %dma_start3A_267 = tpu.memref_slice %arg10[%dma_start3A_265, %mul3A_113, %dma_start3A_266] : memref<64x128x128xf32, #tpu.memory_space<hbm>> -> memref<32x4x128xf32, #tpu.memory_space<hbm>>
      tpu.enqueue_dma source(%arg18 : memref<32x4x128xf32, #tpu.memory_space<vmem>>) target(%dma_start3A_267 : memref<32x4x128xf32, #tpu.memory_space<hbm>>) target_semaphore(%run_scoped3A : memref<!tpu.dma_semaphore, #tpu.memory_space<semaphore_mem>>)
      %dma_wait3A_268 = arith.constant 0 : i32
      %dma_wait3A_269 = arith.constant 0 : i32
      %dma_wait3A_270 = tpu.memref_slice %arg10[%dma_wait3A_268, %mul3A_113, %dma_wait3A_269] : memref<64x128x128xf32, #tpu.memory_space<hbm>> -> memref<32x4x128xf32, #tpu.memory_space<hbm>>
      %dma_wait3A_271 = arith.constant 0 : i32
      %dma_wait3A_272 = arith.constant 0 : i32
      %dma_wait3A_273 = tpu.memref_slice %arg10[%dma_wait3A_271, %mul3A_113, %dma_wait3A_272] : memref<64x128x128xf32, #tpu.memory_space<hbm>> -> memref<32x4x128xf32, #tpu.memory_space<hbm>>
      tpu.wait_dma2 semaphore(%run_scoped3A : memref<!tpu.dma_semaphore, #tpu.memory_space<semaphore_mem>>) src(%arg18 : memref<32x4x128xf32, #tpu.memory_space<vmem>>) dst(%dma_wait3A_273 : memref<32x4x128xf32, #tpu.memory_space<hbm>>)
      tpu.yield
    }) : () -> ()
    "tpu.region"() ({
      %run_scoped3A = tpu.sem_alloc : memref<!tpu.dma_semaphore, #tpu.memory_space<semaphore_mem>>
      %dma_start3A_262 = arith.constant 0 : i32
      %dma_start3A_263 = arith.constant 0 : i32
      %dma_start3A_264 = tpu.memref_slice %arg11[%dma_start3A_262, %mul3A_113, %dma_start3A_263] : memref<64x128x128xf32, #tpu.memory_space<hbm>> -> memref<32x4x128xf32, #tpu.memory_space<hbm>>
      %dma_start3A_265 = arith.constant 0 : i32
      %dma_start3A_266 = arith.constant 0 : i32
      %dma_start3A_267 = tpu.memref_slice %arg11[%dma_start3A_265, %mul3A_113, %dma_start3A_266] : memref<64x128x128xf32, #tpu.memory_space<hbm>> -> memref<32x4x128xf32, #tpu.memory_space<hbm>>
      tpu.enqueue_dma source(%arg19 : memref<32x4x128xf32, #tpu.memory_space<vmem>>) target(%dma_start3A_267 : memref<32x4x128xf32, #tpu.memory_space<hbm>>) target_semaphore(%run_scoped3A : memref<!tpu.dma_semaphore, #tpu.memory_space<semaphore_mem>>)
      %dma_wait3A_268 = arith.constant 0 : i32
      %dma_wait3A_269 = arith.constant 0 : i32
      %dma_wait3A_270 = tpu.memref_slice %arg11[%dma_wait3A_268, %mul3A_113, %dma_wait3A_269] : memref<64x128x128xf32, #tpu.memory_space<hbm>> -> memref<32x4x128xf32, #tpu.memory_space<hbm>>
      %dma_wait3A_271 = arith.constant 0 : i32
      %dma_wait3A_272 = arith.constant 0 : i32
      %dma_wait3A_273 = tpu.memref_slice %arg11[%dma_wait3A_271, %mul3A_113, %dma_wait3A_272] : memref<64x128x128xf32, #tpu.memory_space<hbm>> -> memref<32x4x128xf32, #tpu.memory_space<hbm>>
      tpu.wait_dma2 semaphore(%run_scoped3A : memref<!tpu.dma_semaphore, #tpu.memory_space<semaphore_mem>>) src(%arg19 : memref<32x4x128xf32, #tpu.memory_space<vmem>>) dst(%dma_wait3A_273 : memref<32x4x128xf32, #tpu.memory_space<hbm>>)
      tpu.yield
    }) : () -> ()
    "tpu.region"() ({
      %run_scoped3A = tpu.sem_alloc : memref<!tpu.dma_semaphore, #tpu.memory_space<semaphore_mem>>
      %dma_start3A_262 = arith.constant 32 : i32
      %dma_start3A_263 = arith.constant 0 : i32
      %dma_start3A_264 = tpu.memref_slice %arg2[%dma_start3A_262, %mul3A_113, %dma_start3A_263] : memref<64x128x128xi32, #tpu.memory_space<hbm>> -> memref<32x4x128xi32, #tpu.memory_space<hbm>>
      %dma_start3A_265 = arith.constant 32 : i32
      %dma_start3A_266 = arith.constant 0 : i32
      %dma_start3A_267 = tpu.memref_slice %arg2[%dma_start3A_265, %mul3A_113, %dma_start3A_266] : memref<64x128x128xi32, #tpu.memory_space<hbm>> -> memref<32x4x128xi32, #tpu.memory_space<hbm>>
      tpu.enqueue_dma source(%dma_start3A_267 : memref<32x4x128xi32, #tpu.memory_space<hbm>>) target(%arg14 : memref<32x4x128xi32, #tpu.memory_space<vmem>>) target_semaphore(%run_scoped3A : memref<!tpu.dma_semaphore, #tpu.memory_space<semaphore_mem>>)
      %dma_wait3A_268 = arith.constant 32 : i32
      %dma_wait3A_269 = arith.constant 0 : i32
      %dma_wait3A_270 = tpu.memref_slice %arg2[%dma_wait3A_268, %mul3A_113, %dma_wait3A_269] : memref<64x128x128xi32, #tpu.memory_space<hbm>> -> memref<32x4x128xi32, #tpu.memory_space<hbm>>
      %dma_wait3A_271 = arith.constant 32 : i32
      %dma_wait3A_272 = arith.constant 0 : i32
      %dma_wait3A_273 = tpu.memref_slice %arg2[%dma_wait3A_271, %mul3A_113, %dma_wait3A_272] : memref<64x128x128xi32, #tpu.memory_space<hbm>> -> memref<32x4x128xi32, #tpu.memory_space<hbm>>
      tpu.wait_dma2 semaphore(%run_scoped3A : memref<!tpu.dma_semaphore, #tpu.memory_space<semaphore_mem>>) src(%dma_wait3A_273 : memref<32x4x128xi32, #tpu.memory_space<hbm>>) dst(%arg14 : memref<32x4x128xi32, #tpu.memory_space<vmem>>)
      tpu.yield
    }) : () -> ()
    "tpu.region"() ({
      %run_scoped3A = tpu.sem_alloc : memref<!tpu.dma_semaphore, #tpu.memory_space<semaphore_mem>>
      %dma_start3A_262 = arith.constant 32 : i32
      %dma_start3A_263 = arith.constant 0 : i32
      %dma_start3A_264 = tpu.memref_slice %arg3[%dma_start3A_262, %mul3A_113, %dma_start3A_263] : memref<64x128x128xi32, #tpu.memory_space<hbm>> -> memref<32x4x128xi32, #tpu.memory_space<hbm>>
      %dma_start3A_265 = arith.constant 32 : i32
      %dma_start3A_266 = arith.constant 0 : i32
      %dma_start3A_267 = tpu.memref_slice %arg3[%dma_start3A_265, %mul3A_113, %dma_start3A_266] : memref<64x128x128xi32, #tpu.memory_space<hbm>> -> memref<32x4x128xi32, #tpu.memory_space<hbm>>
      tpu.enqueue_dma source(%dma_start3A_267 : memref<32x4x128xi32, #tpu.memory_space<hbm>>) target(%arg15 : memref<32x4x128xi32, #tpu.memory_space<vmem>>) target_semaphore(%run_scoped3A : memref<!tpu.dma_semaphore, #tpu.memory_space<semaphore_mem>>)
      %dma_wait3A_268 = arith.constant 32 : i32
      %dma_wait3A_269 = arith.constant 0 : i32
      %dma_wait3A_270 = tpu.memref_slice %arg3[%dma_wait3A_268, %mul3A_113, %dma_wait3A_269] : memref<64x128x128xi32, #tpu.memory_space<hbm>> -> memref<32x4x128xi32, #tpu.memory_space<hbm>>
      %dma_wait3A_271 = arith.constant 32 : i32
      %dma_wait3A_272 = arith.constant 0 : i32
      %dma_wait3A_273 = tpu.memref_slice %arg3[%dma_wait3A_271, %mul3A_113, %dma_wait3A_272] : memref<64x128x128xi32, #tpu.memory_space<hbm>> -> memref<32x4x128xi32, #tpu.memory_space<hbm>>
      tpu.wait_dma2 semaphore(%run_scoped3A : memref<!tpu.dma_semaphore, #tpu.memory_space<semaphore_mem>>) src(%dma_wait3A_273 : memref<32x4x128xi32, #tpu.memory_space<hbm>>) dst(%arg15 : memref<32x4x128xi32, #tpu.memory_space<vmem>>)
      tpu.yield
    }) : () -> ()
    %scan3A_131 = arith.constant 0 : i32
    %scan3A_132 = arith.constant 0 : i32
    %scan3A_133 = arith.constant 0 : i32
    %scan3A_134 = arith.constant 128 : i32
    %scan3A_135 = arith.addi %scan3A_133, %scan3A_134 : i32
    %scan3A_136 = arith.constant 1 : i32
    scf.for %scan3A_262 = %scan3A_133 to %scan3A_135 step %scan3A_136  : i32 {
      %jit3A = arith.constant 4 : i32
      %div3A = arith.divsi %scan3A_262, %jit3A : i32
      %sign3A = arith.constant 0 : i32
      %sign3A_263 = arith.cmpi sgt, %scan3A_262, %sign3A : i32
      %sign3A_264 = arith.extui %sign3A_263 : i1 to i32
      %sign3A_265 = arith.constant 0 : i32
      %sign3A_266 = arith.cmpi slt, %scan3A_262, %sign3A_265 : i32
      %sign3A_267 = arith.extui %sign3A_266 : i1 to i32
      %sign3A_268 = arith.subi %sign3A_264, %sign3A_267 : i32
      %sign3A_269 = arith.constant 0 : i32
      %sign3A_270 = arith.cmpi sgt, %jit3A, %sign3A_269 : i32
      %sign3A_271 = arith.extui %sign3A_270 : i1 to i32
      %sign3A_272 = arith.constant 0 : i32
      %sign3A_273 = arith.cmpi slt, %jit3A, %sign3A_272 : i32
      %sign3A_274 = arith.extui %sign3A_273 : i1 to i32
      %sign3A_275 = arith.subi %sign3A_271, %sign3A_274 : i32
      %ne3A = arith.cmpi ne, %sign3A_268, %sign3A_275 : i32
      %rem3A = arith.remsi %scan3A_262, %jit3A : i32
      %ne3A_276 = arith.constant 0 : i32
      %ne3A_277 = arith.cmpi ne, %rem3A, %ne3A_276 : i32
      %and3A = arith.andi %ne3A, %ne3A_277 : i1
      %sub3A = arith.constant 1 : i32
      %sub3A_278 = arith.subi %div3A, %sub3A : i32
      %select_n3A = arith.select %and3A, %sub3A_278, %div3A : i32
      %jit3A_279 = arith.constant 4 : i32
      %eq3A = arith.constant 0 : i32
      %eq3A_280 = arith.cmpi eq, %jit3A_279, %eq3A : i32
      %jit3A_281 = arith.constant 1 : i32
      %select_n3A_282 = arith.select %eq3A_280, %jit3A_281, %jit3A_279 : i32
      %rem3A_283 = arith.remsi %scan3A_262, %select_n3A_282 : i32
      %ne3A_284 = arith.constant 0 : i32
      %ne3A_285 = arith.cmpi ne, %rem3A_283, %ne3A_284 : i32
      %lt3A = arith.constant 0 : i32
      %lt3A_286 = arith.cmpi slt, %rem3A_283, %lt3A : i32
      %lt3A_287 = arith.constant 0 : i32
      %lt3A_288 = arith.cmpi slt, %select_n3A_282, %lt3A_287 : i32
      %ne3A_289 = arith.xori %lt3A_286, %lt3A_288 : i1
      %and3A_290 = arith.andi %ne3A_289, %ne3A_285 : i1
      %add3A_291 = arith.addi %rem3A_283, %select_n3A_282 : i32
      %select_n3A_292 = arith.select %and3A_290, %add3A_291, %rem3A_283 : i32
      %dma_start3A_293 = arith.constant 0 : i32
      %dma_start3A_294 = arith.constant 0 : i32
      %dma_start3A_295 = tpu.memref_slice %arg18[%select_n3A, %dma_start3A_293, %dma_start3A_294] : memref<32x4x128xf32, #tpu.memory_space<vmem>> -> memref<1x4x128xf32, #tpu.memory_space<vmem>>
      %dma_start3A_296 = tpu.memref_squeeze %dma_start3A_295 : memref<1x4x128xf32, #tpu.memory_space<vmem>> -> memref<4x128xf32, #tpu.memory_space<vmem>>
      %dma_start3A_297 = arith.constant 0 : i32
      %dma_start3A_298 = tpu.memref_slice %dma_start3A_296[%select_n3A_292, %dma_start3A_297] : memref<4x128xf32, #tpu.memory_space<vmem>> -> memref<1x128xf32, #tpu.memory_space<vmem>>
      %dma_start3A_299 = tpu.memref_squeeze %dma_start3A_298 : memref<1x128xf32, #tpu.memory_space<vmem>> -> memref<128xf32, #tpu.memory_space<vmem>>
      %dma_start3A_300 = arith.constant 0 : i32
      %dma_start3A_301 = arith.constant 0 : i32
      %dma_start3A_302 = tpu.memref_slice %arg14[%select_n3A, %dma_start3A_300, %dma_start3A_301] : memref<32x4x128xi32, #tpu.memory_space<vmem>> -> memref<1x4x128xi32, #tpu.memory_space<vmem>>
      %dma_start3A_303 = tpu.memref_squeeze %dma_start3A_302 : memref<1x4x128xi32, #tpu.memory_space<vmem>> -> memref<4x128xi32, #tpu.memory_space<vmem>>
      %dma_start3A_304 = arith.constant 0 : i32
      %dma_start3A_305 = tpu.memref_slice %dma_start3A_303[%select_n3A_292, %dma_start3A_304] : memref<4x128xi32, #tpu.memory_space<vmem>> -> memref<1x128xi32, #tpu.memory_space<vmem>>
      %dma_start3A_306 = tpu.memref_squeeze %dma_start3A_305 : memref<1x128xi32, #tpu.memory_space<vmem>> -> memref<128xi32, #tpu.memory_space<vmem>>
      %dma_start3A_307 = arith.constant 0 : i32
      %dma_start3A_308 = tpu.memref_slice %arg6[%scan3A_131, %dma_start3A_307] : memref<64x1000000xf32, #tpu.memory_space<hbm>> -> memref<1x1000000xf32, #tpu.memory_space<hbm>>
      %dma_start3A_309 = tpu.memref_squeeze %dma_start3A_308 : memref<1x1000000xf32, #tpu.memory_space<hbm>> -> memref<1000000xf32, #tpu.memory_space<hbm>>
      %dma_start3A_310 = arith.constant 0 : i32
      %dma_start3A_311 = tpu.memref_slice %dma_start3A_309[%dma_start3A_310] : memref<1000000xf32, #tpu.memory_space<hbm>> -> memref<1000000xf32, #tpu.memory_space<hbm>>
      tpu.enqueue_indirect_dma source(%dma_start3A_311 : memref<1000000xf32, #tpu.memory_space<hbm>>) target(%dma_start3A_299 : memref<128xf32, #tpu.memory_space<vmem>>) offsets(%dma_start3A_306 : memref<128xi32, #tpu.memory_space<vmem>>) semaphore(%arg22 : memref<!tpu.dma_semaphore, #tpu.memory_space<semaphore_mem>>)
      %dma_start3A_312 = arith.constant 0 : i32
      %dma_start3A_313 = arith.constant 0 : i32
      %dma_start3A_314 = tpu.memref_slice %arg19[%select_n3A, %dma_start3A_312, %dma_start3A_313] : memref<32x4x128xf32, #tpu.memory_space<vmem>> -> memref<1x4x128xf32, #tpu.memory_space<vmem>>
      %dma_start3A_315 = tpu.memref_squeeze %dma_start3A_314 : memref<1x4x128xf32, #tpu.memory_space<vmem>> -> memref<4x128xf32, #tpu.memory_space<vmem>>
      %dma_start3A_316 = arith.constant 0 : i32
      %dma_start3A_317 = tpu.memref_slice %dma_start3A_315[%select_n3A_292, %dma_start3A_316] : memref<4x128xf32, #tpu.memory_space<vmem>> -> memref<1x128xf32, #tpu.memory_space<vmem>>
      %dma_start3A_318 = tpu.memref_squeeze %dma_start3A_317 : memref<1x128xf32, #tpu.memory_space<vmem>> -> memref<128xf32, #tpu.memory_space<vmem>>
      %dma_start3A_319 = arith.constant 0 : i32
      %dma_start3A_320 = arith.constant 0 : i32
      %dma_start3A_321 = tpu.memref_slice %arg15[%select_n3A, %dma_start3A_319, %dma_start3A_320] : memref<32x4x128xi32, #tpu.memory_space<vmem>> -> memref<1x4x128xi32, #tpu.memory_space<vmem>>
      %dma_start3A_322 = tpu.memref_squeeze %dma_start3A_321 : memref<1x4x128xi32, #tpu.memory_space<vmem>> -> memref<4x128xi32, #tpu.memory_space<vmem>>
      %dma_start3A_323 = arith.constant 0 : i32
      %dma_start3A_324 = tpu.memref_slice %dma_start3A_322[%select_n3A_292, %dma_start3A_323] : memref<4x128xi32, #tpu.memory_space<vmem>> -> memref<1x128xi32, #tpu.memory_space<vmem>>
      %dma_start3A_325 = tpu.memref_squeeze %dma_start3A_324 : memref<1x128xi32, #tpu.memory_space<vmem>> -> memref<128xi32, #tpu.memory_space<vmem>>
      %dma_start3A_326 = arith.constant 0 : i32
      %dma_start3A_327 = tpu.memref_slice %arg7[%scan3A_132, %dma_start3A_326] : memref<64x1000000xf32, #tpu.memory_space<hbm>> -> memref<1x1000000xf32, #tpu.memory_space<hbm>>
      %dma_start3A_328 = tpu.memref_squeeze %dma_start3A_327 : memref<1x1000000xf32, #tpu.memory_space<hbm>> -> memref<1000000xf32, #tpu.memory_space<hbm>>
      %dma_start3A_329 = arith.constant 0 : i32
      %dma_start3A_330 = tpu.memref_slice %dma_start3A_328[%dma_start3A_329] : memref<1000000xf32, #tpu.memory_space<hbm>> -> memref<1000000xf32, #tpu.memory_space<hbm>>
      tpu.enqueue_indirect_dma source(%dma_start3A_330 : memref<1000000xf32, #tpu.memory_space<hbm>>) target(%dma_start3A_318 : memref<128xf32, #tpu.memory_space<vmem>>) offsets(%dma_start3A_325 : memref<128xi32, #tpu.memory_space<vmem>>) semaphore(%arg22 : memref<!tpu.dma_semaphore, #tpu.memory_space<semaphore_mem>>)
    }
    %scan3A_137 = arith.constant 128 : i32
    %dma_wait3A_138 = arith.constant 32 : i32
    %dma_wait3A_139 = arith.constant 0 : i32
    %dma_wait3A_140 = tpu.memref_slice %arg10[%dma_wait3A_138, %mul3A_113, %dma_wait3A_139] : memref<64x128x128xf32, #tpu.memory_space<hbm>> -> memref<32x4x128xf32, #tpu.memory_space<hbm>>
    %dma_wait3A_141 = arith.constant 32 : i32
    %dma_wait3A_142 = arith.constant 0 : i32
    %dma_wait3A_143 = tpu.memref_slice %arg10[%dma_wait3A_141, %mul3A_113, %dma_wait3A_142] : memref<64x128x128xf32, #tpu.memory_space<hbm>> -> memref<32x4x128xf32, #tpu.memory_space<hbm>>
    tpu.wait_dma2 semaphore(%arg22 : memref<!tpu.dma_semaphore, #tpu.memory_space<semaphore_mem>>) src(%dma_wait3A_143 : memref<32x4x128xf32, #tpu.memory_space<hbm>>) dst(%arg18 : memref<32x4x128xf32, #tpu.memory_space<vmem>>)
    %dma_wait3A_144 = arith.constant 32 : i32
    %dma_wait3A_145 = arith.constant 0 : i32
    %dma_wait3A_146 = tpu.memref_slice %arg11[%dma_wait3A_144, %mul3A_113, %dma_wait3A_145] : memref<64x128x128xf32, #tpu.memory_space<hbm>> -> memref<32x4x128xf32, #tpu.memory_space<hbm>>
    %dma_wait3A_147 = arith.constant 32 : i32
    %dma_wait3A_148 = arith.constant 0 : i32
    %dma_wait3A_149 = tpu.memref_slice %arg11[%dma_wait3A_147, %mul3A_113, %dma_wait3A_148] : memref<64x128x128xf32, #tpu.memory_space<hbm>> -> memref<32x4x128xf32, #tpu.memory_space<hbm>>
    tpu.wait_dma2 semaphore(%arg22 : memref<!tpu.dma_semaphore, #tpu.memory_space<semaphore_mem>>) src(%dma_wait3A_149 : memref<32x4x128xf32, #tpu.memory_space<hbm>>) dst(%arg19 : memref<32x4x128xf32, #tpu.memory_space<vmem>>)
    "tpu.region"() ({
      %run_scoped3A = tpu.sem_alloc : memref<!tpu.dma_semaphore, #tpu.memory_space<semaphore_mem>>
      %dma_start3A_262 = arith.constant 32 : i32
      %dma_start3A_263 = arith.constant 0 : i32
      %dma_start3A_264 = tpu.memref_slice %arg10[%dma_start3A_262, %mul3A_113, %dma_start3A_263] : memref<64x128x128xf32, #tpu.memory_space<hbm>> -> memref<32x4x128xf32, #tpu.memory_space<hbm>>
      %dma_start3A_265 = arith.constant 32 : i32
      %dma_start3A_266 = arith.constant 0 : i32
      %dma_start3A_267 = tpu.memref_slice %arg10[%dma_start3A_265, %mul3A_113, %dma_start3A_266] : memref<64x128x128xf32, #tpu.memory_space<hbm>> -> memref<32x4x128xf32, #tpu.memory_space<hbm>>
      tpu.enqueue_dma source(%arg18 : memref<32x4x128xf32, #tpu.memory_space<vmem>>) target(%dma_start3A_267 : memref<32x4x128xf32, #tpu.memory_space<hbm>>) target_semaphore(%run_scoped3A : memref<!tpu.dma_semaphore, #tpu.memory_space<semaphore_mem>>)
      %dma_wait3A_268 = arith.constant 32 : i32
      %dma_wait3A_269 = arith.constant 0 : i32
      %dma_wait3A_270 = tpu.memref_slice %arg10[%dma_wait3A_268, %mul3A_113, %dma_wait3A_269] : memref<64x128x128xf32, #tpu.memory_space<hbm>> -> memref<32x4x128xf32, #tpu.memory_space<hbm>>
      %dma_wait3A_271 = arith.constant 32 : i32
      %dma_wait3A_272 = arith.constant 0 : i32
      %dma_wait3A_273 = tpu.memref_slice %arg10[%dma_wait3A_271, %mul3A_113, %dma_wait3A_272] : memref<64x128x128xf32, #tpu.memory_space<hbm>> -> memref<32x4x128xf32, #tpu.memory_space<hbm>>
      tpu.wait_dma2 semaphore(%run_scoped3A : memref<!tpu.dma_semaphore, #tpu.memory_space<semaphore_mem>>) src(%arg18 : memref<32x4x128xf32, #tpu.memory_space<vmem>>) dst(%dma_wait3A_273 : memref<32x4x128xf32, #tpu.memory_space<hbm>>)
      tpu.yield
    }) : () -> ()
    "tpu.region"() ({
      %run_scoped3A = tpu.sem_alloc : memref<!tpu.dma_semaphore, #tpu.memory_space<semaphore_mem>>
      %dma_start3A_262 = arith.constant 32 : i32
      %dma_start3A_263 = arith.constant 0 : i32
      %dma_start3A_264 = tpu.memref_slice %arg11[%dma_start3A_262, %mul3A_113, %dma_start3A_263] : memref<64x128x128xf32, #tpu.memory_space<hbm>> -> memref<32x4x128xf32, #tpu.memory_space<hbm>>
      %dma_start3A_265 = arith.constant 32 : i32
      %dma_start3A_266 = arith.constant 0 : i32
      %dma_start3A_267 = tpu.memref_slice %arg11[%dma_start3A_265, %mul3A_113, %dma_start3A_266] : memref<64x128x128xf32, #tpu.memory_space<hbm>> -> memref<32x4x128xf32, #tpu.memory_space<hbm>>
      tpu.enqueue_dma source(%arg19 : memref<32x4x128xf32, #tpu.memory_space<vmem>>) target(%dma_start3A_267 : memref<32x4x128xf32, #tpu.memory_space<hbm>>) target_semaphore(%run_scoped3A : memref<!tpu.dma_semaphore, #tpu.memory_space<semaphore_mem>>)
      %dma_wait3A_268 = arith.constant 32 : i32
      %dma_wait3A_269 = arith.constant 0 : i32
      %dma_wait3A_270 = tpu.memref_slice %arg11[%dma_wait3A_268, %mul3A_113, %dma_wait3A_269] : memref<64x128x128xf32, #tpu.memory_space<hbm>> -> memref<32x4x128xf32, #tpu.memory_space<hbm>>
      %dma_wait3A_271 = arith.constant 32 : i32
      %dma_wait3A_272 = arith.constant 0 : i32
      %dma_wait3A_273 = tpu.memref_slice %arg11[%dma_wait3A_271, %mul3A_113, %dma_wait3A_272] : memref<64x128x128xf32, #tpu.memory_space<hbm>> -> memref<32x4x128xf32, #tpu.memory_space<hbm>>
      tpu.wait_dma2 semaphore(%run_scoped3A : memref<!tpu.dma_semaphore, #tpu.memory_space<semaphore_mem>>) src(%arg19 : memref<32x4x128xf32, #tpu.memory_space<vmem>>) dst(%dma_wait3A_273 : memref<32x4x128xf32, #tpu.memory_space<hbm>>)
      tpu.yield
    }) : () -> ()
    %dma_wait3A_150 = arith.constant 0 : i32
    %dma_wait3A_151 = arith.constant 0 : i32
    %dma_wait3A_152 = arith.constant 0 : i32
    %dma_wait3A_153 = arith.constant 0 : i32
    %dma_wait3A_154 = tpu.memref_slice %arg20[%dma_wait3A_152, %dma_wait3A_153] : memref<4x128xf32, #tpu.memory_space<vmem>> -> memref<1x128xf32, #tpu.memory_space<vmem>>
    %dma_wait3A_155 = tpu.memref_squeeze %dma_wait3A_154 : memref<1x128xf32, #tpu.memory_space<vmem>> -> memref<128xf32, #tpu.memory_space<vmem>>
    %dma_wait3A_156 = arith.constant 0 : i32
    %dma_wait3A_157 = tpu.memref_slice %arg16[%dma_wait3A_151, %dma_wait3A_156] : memref<4x128xi32, #tpu.memory_space<vmem>> -> memref<1x128xi32, #tpu.memory_space<vmem>>
    %dma_wait3A_158 = tpu.memref_squeeze %dma_wait3A_157 : memref<1x128xi32, #tpu.memory_space<vmem>> -> memref<128xi32, #tpu.memory_space<vmem>>
    %dma_wait3A_159 = arith.constant 0 : i32
    %dma_wait3A_160 = tpu.memref_slice %arg8[%dma_wait3A_150, %dma_wait3A_159] : memref<1x1000000xf32, #tpu.memory_space<hbm>> -> memref<1x1000000xf32, #tpu.memory_space<hbm>>
    %dma_wait3A_161 = tpu.memref_squeeze %dma_wait3A_160 : memref<1x1000000xf32, #tpu.memory_space<hbm>> -> memref<1000000xf32, #tpu.memory_space<hbm>>
    %dma_wait3A_162 = arith.constant 0 : i32
    %dma_wait3A_163 = tpu.memref_slice %dma_wait3A_161[%dma_wait3A_162] : memref<1000000xf32, #tpu.memory_space<hbm>> -> memref<1000000xf32, #tpu.memory_space<hbm>>
    tpu.wait_indirect_dma semaphore(%arg23 : memref<!tpu.dma_semaphore, #tpu.memory_space<semaphore_mem>>) src(%dma_wait3A_163 : memref<1000000xf32, #tpu.memory_space<hbm>>) dst(%dma_wait3A_155 : memref<128xf32, #tpu.memory_space<vmem>>)
    %dma_wait3A_164 = arith.constant 0 : i32
    %dma_wait3A_165 = arith.constant 0 : i32
    %dma_wait3A_166 = arith.constant 0 : i32
    %dma_wait3A_167 = arith.constant 0 : i32
    %dma_wait3A_168 = tpu.memref_slice %arg21[%dma_wait3A_166, %dma_wait3A_167] : memref<4x128xf32, #tpu.memory_space<vmem>> -> memref<1x128xf32, #tpu.memory_space<vmem>>
    %dma_wait3A_169 = tpu.memref_squeeze %dma_wait3A_168 : memref<1x128xf32, #tpu.memory_space<vmem>> -> memref<128xf32, #tpu.memory_space<vmem>>
    %dma_wait3A_170 = arith.constant 0 : i32
    %dma_wait3A_171 = tpu.memref_slice %arg17[%dma_wait3A_165, %dma_wait3A_170] : memref<4x128xi32, #tpu.memory_space<vmem>> -> memref<1x128xi32, #tpu.memory_space<vmem>>
    %dma_wait3A_172 = tpu.memref_squeeze %dma_wait3A_171 : memref<1x128xi32, #tpu.memory_space<vmem>> -> memref<128xi32, #tpu.memory_space<vmem>>
    %dma_wait3A_173 = arith.constant 0 : i32
    %dma_wait3A_174 = tpu.memref_slice %arg9[%dma_wait3A_164, %dma_wait3A_173] : memref<1x1000000xf32, #tpu.memory_space<hbm>> -> memref<1x1000000xf32, #tpu.memory_space<hbm>>
    %dma_wait3A_175 = tpu.memref_squeeze %dma_wait3A_174 : memref<1x1000000xf32, #tpu.memory_space<hbm>> -> memref<1000000xf32, #tpu.memory_space<hbm>>
    %dma_wait3A_176 = arith.constant 0 : i32
    %dma_wait3A_177 = tpu.memref_slice %dma_wait3A_175[%dma_wait3A_176] : memref<1000000xf32, #tpu.memory_space<hbm>> -> memref<1000000xf32, #tpu.memory_space<hbm>>
    tpu.wait_indirect_dma semaphore(%arg23 : memref<!tpu.dma_semaphore, #tpu.memory_space<semaphore_mem>>) src(%dma_wait3A_177 : memref<1000000xf32, #tpu.memory_space<hbm>>) dst(%dma_wait3A_169 : memref<128xf32, #tpu.memory_space<vmem>>)
    %dma_wait3A_178 = arith.constant 0 : i32
    %dma_wait3A_179 = arith.constant 1 : i32
    %dma_wait3A_180 = arith.constant 1 : i32
    %dma_wait3A_181 = arith.constant 0 : i32
    %dma_wait3A_182 = tpu.memref_slice %arg20[%dma_wait3A_180, %dma_wait3A_181] : memref<4x128xf32, #tpu.memory_space<vmem>> -> memref<1x128xf32, #tpu.memory_space<vmem>>
    %dma_wait3A_183 = tpu.memref_squeeze %dma_wait3A_182 : memref<1x128xf32, #tpu.memory_space<vmem>> -> memref<128xf32, #tpu.memory_space<vmem>>
    %dma_wait3A_184 = arith.constant 0 : i32
    %dma_wait3A_185 = tpu.memref_slice %arg16[%dma_wait3A_179, %dma_wait3A_184] : memref<4x128xi32, #tpu.memory_space<vmem>> -> memref<1x128xi32, #tpu.memory_space<vmem>>
    %dma_wait3A_186 = tpu.memref_squeeze %dma_wait3A_185 : memref<1x128xi32, #tpu.memory_space<vmem>> -> memref<128xi32, #tpu.memory_space<vmem>>
    %dma_wait3A_187 = arith.constant 0 : i32
    %dma_wait3A_188 = tpu.memref_slice %arg8[%dma_wait3A_178, %dma_wait3A_187] : memref<1x1000000xf32, #tpu.memory_space<hbm>> -> memref<1x1000000xf32, #tpu.memory_space<hbm>>
    %dma_wait3A_189 = tpu.memref_squeeze %dma_wait3A_188 : memref<1x1000000xf32, #tpu.memory_space<hbm>> -> memref<1000000xf32, #tpu.memory_space<hbm>>
    %dma_wait3A_190 = arith.constant 0 : i32
    %dma_wait3A_191 = tpu.memref_slice %dma_wait3A_189[%dma_wait3A_190] : memref<1000000xf32, #tpu.memory_space<hbm>> -> memref<1000000xf32, #tpu.memory_space<hbm>>
    tpu.wait_indirect_dma semaphore(%arg23 : memref<!tpu.dma_semaphore, #tpu.memory_space<semaphore_mem>>) src(%dma_wait3A_191 : memref<1000000xf32, #tpu.memory_space<hbm>>) dst(%dma_wait3A_183 : memref<128xf32, #tpu.memory_space<vmem>>)
    %dma_wait3A_192 = arith.constant 0 : i32
    %dma_wait3A_193 = arith.constant 1 : i32
    %dma_wait3A_194 = arith.constant 1 : i32
    %dma_wait3A_195 = arith.constant 0 : i32
    %dma_wait3A_196 = tpu.memref_slice %arg21[%dma_wait3A_194, %dma_wait3A_195] : memref<4x128xf32, #tpu.memory_space<vmem>> -> memref<1x128xf32, #tpu.memory_space<vmem>>
    %dma_wait3A_197 = tpu.memref_squeeze %dma_wait3A_196 : memref<1x128xf32, #tpu.memory_space<vmem>> -> memref<128xf32, #tpu.memory_space<vmem>>
    %dma_wait3A_198 = arith.constant 0 : i32
    %dma_wait3A_199 = tpu.memref_slice %arg17[%dma_wait3A_193, %dma_wait3A_198] : memref<4x128xi32, #tpu.memory_space<vmem>> -> memref<1x128xi32, #tpu.memory_space<vmem>>
    %dma_wait3A_200 = tpu.memref_squeeze %dma_wait3A_199 : memref<1x128xi32, #tpu.memory_space<vmem>> -> memref<128xi32, #tpu.memory_space<vmem>>
    %dma_wait3A_201 = arith.constant 0 : i32
    %dma_wait3A_202 = tpu.memref_slice %arg9[%dma_wait3A_192, %dma_wait3A_201] : memref<1x1000000xf32, #tpu.memory_space<hbm>> -> memref<1x1000000xf32, #tpu.memory_space<hbm>>
    %dma_wait3A_203 = tpu.memref_squeeze %dma_wait3A_202 : memref<1x1000000xf32, #tpu.memory_space<hbm>> -> memref<1000000xf32, #tpu.memory_space<hbm>>
    %dma_wait3A_204 = arith.constant 0 : i32
    %dma_wait3A_205 = tpu.memref_slice %dma_wait3A_203[%dma_wait3A_204] : memref<1000000xf32, #tpu.memory_space<hbm>> -> memref<1000000xf32, #tpu.memory_space<hbm>>
    tpu.wait_indirect_dma semaphore(%arg23 : memref<!tpu.dma_semaphore, #tpu.memory_space<semaphore_mem>>) src(%dma_wait3A_205 : memref<1000000xf32, #tpu.memory_space<hbm>>) dst(%dma_wait3A_197 : memref<128xf32, #tpu.memory_space<vmem>>)
    %dma_wait3A_206 = arith.constant 0 : i32
    %dma_wait3A_207 = arith.constant 2 : i32
    %dma_wait3A_208 = arith.constant 2 : i32
    %dma_wait3A_209 = arith.constant 0 : i32
    %dma_wait3A_210 = tpu.memref_slice %arg20[%dma_wait3A_208, %dma_wait3A_209] : memref<4x128xf32, #tpu.memory_space<vmem>> -> memref<1x128xf32, #tpu.memory_space<vmem>>
    %dma_wait3A_211 = tpu.memref_squeeze %dma_wait3A_210 : memref<1x128xf32, #tpu.memory_space<vmem>> -> memref<128xf32, #tpu.memory_space<vmem>>
    %dma_wait3A_212 = arith.constant 0 : i32
    %dma_wait3A_213 = tpu.memref_slice %arg16[%dma_wait3A_207, %dma_wait3A_212] : memref<4x128xi32, #tpu.memory_space<vmem>> -> memref<1x128xi32, #tpu.memory_space<vmem>>
    %dma_wait3A_214 = tpu.memref_squeeze %dma_wait3A_213 : memref<1x128xi32, #tpu.memory_space<vmem>> -> memref<128xi32, #tpu.memory_space<vmem>>
    %dma_wait3A_215 = arith.constant 0 : i32
    %dma_wait3A_216 = tpu.memref_slice %arg8[%dma_wait3A_206, %dma_wait3A_215] : memref<1x1000000xf32, #tpu.memory_space<hbm>> -> memref<1x1000000xf32, #tpu.memory_space<hbm>>
    %dma_wait3A_217 = tpu.memref_squeeze %dma_wait3A_216 : memref<1x1000000xf32, #tpu.memory_space<hbm>> -> memref<1000000xf32, #tpu.memory_space<hbm>>
    %dma_wait3A_218 = arith.constant 0 : i32
    %dma_wait3A_219 = tpu.memref_slice %dma_wait3A_217[%dma_wait3A_218] : memref<1000000xf32, #tpu.memory_space<hbm>> -> memref<1000000xf32, #tpu.memory_space<hbm>>
    tpu.wait_indirect_dma semaphore(%arg23 : memref<!tpu.dma_semaphore, #tpu.memory_space<semaphore_mem>>) src(%dma_wait3A_219 : memref<1000000xf32, #tpu.memory_space<hbm>>) dst(%dma_wait3A_211 : memref<128xf32, #tpu.memory_space<vmem>>)
    %dma_wait3A_220 = arith.constant 0 : i32
    %dma_wait3A_221 = arith.constant 2 : i32
    %dma_wait3A_222 = arith.constant 2 : i32
    %dma_wait3A_223 = arith.constant 0 : i32
    %dma_wait3A_224 = tpu.memref_slice %arg21[%dma_wait3A_222, %dma_wait3A_223] : memref<4x128xf32, #tpu.memory_space<vmem>> -> memref<1x128xf32, #tpu.memory_space<vmem>>
    %dma_wait3A_225 = tpu.memref_squeeze %dma_wait3A_224 : memref<1x128xf32, #tpu.memory_space<vmem>> -> memref<128xf32, #tpu.memory_space<vmem>>
    %dma_wait3A_226 = arith.constant 0 : i32
    %dma_wait3A_227 = tpu.memref_slice %arg17[%dma_wait3A_221, %dma_wait3A_226] : memref<4x128xi32, #tpu.memory_space<vmem>> -> memref<1x128xi32, #tpu.memory_space<vmem>>
    %dma_wait3A_228 = tpu.memref_squeeze %dma_wait3A_227 : memref<1x128xi32, #tpu.memory_space<vmem>> -> memref<128xi32, #tpu.memory_space<vmem>>
    %dma_wait3A_229 = arith.constant 0 : i32
    %dma_wait3A_230 = tpu.memref_slice %arg9[%dma_wait3A_220, %dma_wait3A_229] : memref<1x1000000xf32, #tpu.memory_space<hbm>> -> memref<1x1000000xf32, #tpu.memory_space<hbm>>
    %dma_wait3A_231 = tpu.memref_squeeze %dma_wait3A_230 : memref<1x1000000xf32, #tpu.memory_space<hbm>> -> memref<1000000xf32, #tpu.memory_space<hbm>>
    %dma_wait3A_232 = arith.constant 0 : i32
    %dma_wait3A_233 = tpu.memref_slice %dma_wait3A_231[%dma_wait3A_232] : memref<1000000xf32, #tpu.memory_space<hbm>> -> memref<1000000xf32, #tpu.memory_space<hbm>>
    tpu.wait_indirect_dma semaphore(%arg23 : memref<!tpu.dma_semaphore, #tpu.memory_space<semaphore_mem>>) src(%dma_wait3A_233 : memref<1000000xf32, #tpu.memory_space<hbm>>) dst(%dma_wait3A_225 : memref<128xf32, #tpu.memory_space<vmem>>)
    %dma_wait3A_234 = arith.constant 0 : i32
    %dma_wait3A_235 = arith.constant 3 : i32
    %dma_wait3A_236 = arith.constant 3 : i32
    %dma_wait3A_237 = arith.constant 0 : i32
    %dma_wait3A_238 = tpu.memref_slice %arg20[%dma_wait3A_236, %dma_wait3A_237] : memref<4x128xf32, #tpu.memory_space<vmem>> -> memref<1x128xf32, #tpu.memory_space<vmem>>
    %dma_wait3A_239 = tpu.memref_squeeze %dma_wait3A_238 : memref<1x128xf32, #tpu.memory_space<vmem>> -> memref<128xf32, #tpu.memory_space<vmem>>
    %dma_wait3A_240 = arith.constant 0 : i32
    %dma_wait3A_241 = tpu.memref_slice %arg16[%dma_wait3A_235, %dma_wait3A_240] : memref<4x128xi32, #tpu.memory_space<vmem>> -> memref<1x128xi32, #tpu.memory_space<vmem>>
    %dma_wait3A_242 = tpu.memref_squeeze %dma_wait3A_241 : memref<1x128xi32, #tpu.memory_space<vmem>> -> memref<128xi32, #tpu.memory_space<vmem>>
    %dma_wait3A_243 = arith.constant 0 : i32
    %dma_wait3A_244 = tpu.memref_slice %arg8[%dma_wait3A_234, %dma_wait3A_243] : memref<1x1000000xf32, #tpu.memory_space<hbm>> -> memref<1x1000000xf32, #tpu.memory_space<hbm>>
    %dma_wait3A_245 = tpu.memref_squeeze %dma_wait3A_244 : memref<1x1000000xf32, #tpu.memory_space<hbm>> -> memref<1000000xf32, #tpu.memory_space<hbm>>
    %dma_wait3A_246 = arith.constant 0 : i32
    %dma_wait3A_247 = tpu.memref_slice %dma_wait3A_245[%dma_wait3A_246] : memref<1000000xf32, #tpu.memory_space<hbm>> -> memref<1000000xf32, #tpu.memory_space<hbm>>
    tpu.wait_indirect_dma semaphore(%arg23 : memref<!tpu.dma_semaphore, #tpu.memory_space<semaphore_mem>>) src(%dma_wait3A_247 : memref<1000000xf32, #tpu.memory_space<hbm>>) dst(%dma_wait3A_239 : memref<128xf32, #tpu.memory_space<vmem>>)
    %dma_wait3A_248 = arith.constant 0 : i32
    %dma_wait3A_249 = arith.constant 3 : i32
    %dma_wait3A_250 = arith.constant 3 : i32
    %dma_wait3A_251 = arith.constant 0 : i32
    %dma_wait3A_252 = tpu.memref_slice %arg21[%dma_wait3A_250, %dma_wait3A_251] : memref<4x128xf32, #tpu.memory_space<vmem>> -> memref<1x128xf32, #tpu.memory_space<vmem>>
    %dma_wait3A_253 = tpu.memref_squeeze %dma_wait3A_252 : memref<1x128xf32, #tpu.memory_space<vmem>> -> memref<128xf32, #tpu.memory_space<vmem>>
    %dma_wait3A_254 = arith.constant 0 : i32
    %dma_wait3A_255 = tpu.memref_slice %arg17[%dma_wait3A_249, %dma_wait3A_254] : memref<4x128xi32, #tpu.memory_space<vmem>> -> memref<1x128xi32, #tpu.memory_space<vmem>>
    %dma_wait3A_256 = tpu.memref_squeeze %dma_wait3A_255 : memref<1x128xi32, #tpu.memory_space<vmem>> -> memref<128xi32, #tpu.memory_space<vmem>>
    %dma_wait3A_257 = arith.constant 0 : i32
    %dma_wait3A_258 = tpu.memref_slice %arg9[%dma_wait3A_248, %dma_wait3A_257] : memref<1x1000000xf32, #tpu.memory_space<hbm>> -> memref<1x1000000xf32, #tpu.memory_space<hbm>>
    %dma_wait3A_259 = tpu.memref_squeeze %dma_wait3A_258 : memref<1x1000000xf32, #tpu.memory_space<hbm>> -> memref<1000000xf32, #tpu.memory_space<hbm>>
    %dma_wait3A_260 = arith.constant 0 : i32
    %dma_wait3A_261 = tpu.memref_slice %dma_wait3A_259[%dma_wait3A_260] : memref<1000000xf32, #tpu.memory_space<hbm>> -> memref<1000000xf32, #tpu.memory_space<hbm>>
    tpu.wait_indirect_dma semaphore(%arg23 : memref<!tpu.dma_semaphore, #tpu.memory_space<semaphore_mem>>) src(%dma_wait3A_261 : memref<1000000xf32, #tpu.memory_space<hbm>>) dst(%dma_wait3A_253 : memref<128xf32, #tpu.memory_space<vmem>>)
    "tpu.region"() ({
      %run_scoped3A = tpu.sem_alloc : memref<!tpu.dma_semaphore, #tpu.memory_space<semaphore_mem>>
      %dma_start3A_262 = arith.constant 0 : i32
      %dma_start3A_263 = arith.constant 0 : i32
      %dma_start3A_264 = tpu.memref_slice %arg12[%add3A, %dma_start3A_262, %dma_start3A_263] : memref<32x4x128xf32, #tpu.memory_space<hbm>> -> memref<1x4x128xf32, #tpu.memory_space<hbm>>
      %dma_start3A_265 = tpu.memref_squeeze %dma_start3A_264 : memref<1x4x128xf32, #tpu.memory_space<hbm>> -> memref<4x128xf32, #tpu.memory_space<hbm>>
      %dma_start3A_266 = arith.constant 0 : i32
      %dma_start3A_267 = arith.constant 0 : i32
      %dma_start3A_268 = tpu.memref_slice %arg12[%add3A, %dma_start3A_266, %dma_start3A_267] : memref<32x4x128xf32, #tpu.memory_space<hbm>> -> memref<1x4x128xf32, #tpu.memory_space<hbm>>
      %dma_start3A_269 = tpu.memref_squeeze %dma_start3A_268 : memref<1x4x128xf32, #tpu.memory_space<hbm>> -> memref<4x128xf32, #tpu.memory_space<hbm>>
      tpu.enqueue_dma source(%arg20 : memref<4x128xf32, #tpu.memory_space<vmem>>) target(%dma_start3A_269 : memref<4x128xf32, #tpu.memory_space<hbm>>) target_semaphore(%run_scoped3A : memref<!tpu.dma_semaphore, #tpu.memory_space<semaphore_mem>>)
      %dma_wait3A_270 = arith.constant 0 : i32
      %dma_wait3A_271 = arith.constant 0 : i32
      %dma_wait3A_272 = tpu.memref_slice %arg12[%add3A, %dma_wait3A_270, %dma_wait3A_271] : memref<32x4x128xf32, #tpu.memory_space<hbm>> -> memref<1x4x128xf32, #tpu.memory_space<hbm>>
      %dma_wait3A_273 = tpu.memref_squeeze %dma_wait3A_272 : memref<1x4x128xf32, #tpu.memory_space<hbm>> -> memref<4x128xf32, #tpu.memory_space<hbm>>
      %dma_wait3A_274 = arith.constant 0 : i32
      %dma_wait3A_275 = arith.constant 0 : i32
      %dma_wait3A_276 = tpu.memref_slice %arg12[%add3A, %dma_wait3A_274, %dma_wait3A_275] : memref<32x4x128xf32, #tpu.memory_space<hbm>> -> memref<1x4x128xf32, #tpu.memory_space<hbm>>
      %dma_wait3A_277 = tpu.memref_squeeze %dma_wait3A_276 : memref<1x4x128xf32, #tpu.memory_space<hbm>> -> memref<4x128xf32, #tpu.memory_space<hbm>>
      tpu.wait_dma2 semaphore(%run_scoped3A : memref<!tpu.dma_semaphore, #tpu.memory_space<semaphore_mem>>) src(%arg20 : memref<4x128xf32, #tpu.memory_space<vmem>>) dst(%dma_wait3A_277 : memref<4x128xf32, #tpu.memory_space<hbm>>)
      tpu.yield
    }) : () -> ()
    "tpu.region"() ({
      %run_scoped3A = tpu.sem_alloc : memref<!tpu.dma_semaphore, #tpu.memory_space<semaphore_mem>>
      %dma_start3A_262 = arith.constant 0 : i32
      %dma_start3A_263 = arith.constant 0 : i32
      %dma_start3A_264 = tpu.memref_slice %arg13[%add3A, %dma_start3A_262, %dma_start3A_263] : memref<32x4x128xf32, #tpu.memory_space<hbm>> -> memref<1x4x128xf32, #tpu.memory_space<hbm>>
      %dma_start3A_265 = tpu.memref_squeeze %dma_start3A_264 : memref<1x4x128xf32, #tpu.memory_space<hbm>> -> memref<4x128xf32, #tpu.memory_space<hbm>>
      %dma_start3A_266 = arith.constant 0 : i32
      %dma_start3A_267 = arith.constant 0 : i32
      %dma_start3A_268 = tpu.memref_slice %arg13[%add3A, %dma_start3A_266, %dma_start3A_267] : memref<32x4x128xf32, #tpu.memory_space<hbm>> -> memref<1x4x128xf32, #tpu.memory_space<hbm>>
      %dma_start3A_269 = tpu.memref_squeeze %dma_start3A_268 : memref<1x4x128xf32, #tpu.memory_space<hbm>> -> memref<4x128xf32, #tpu.memory_space<hbm>>
      tpu.enqueue_dma source(%arg21 : memref<4x128xf32, #tpu.memory_space<vmem>>) target(%dma_start3A_269 : memref<4x128xf32, #tpu.memory_space<hbm>>) target_semaphore(%run_scoped3A : memref<!tpu.dma_semaphore, #tpu.memory_space<semaphore_mem>>)
      %dma_wait3A_270 = arith.constant 0 : i32
      %dma_wait3A_271 = arith.constant 0 : i32
      %dma_wait3A_272 = tpu.memref_slice %arg13[%add3A, %dma_wait3A_270, %dma_wait3A_271] : memref<32x4x128xf32, #tpu.memory_space<hbm>> -> memref<1x4x128xf32, #tpu.memory_space<hbm>>
      %dma_wait3A_273 = tpu.memref_squeeze %dma_wait3A_272 : memref<1x4x128xf32, #tpu.memory_space<hbm>> -> memref<4x128xf32, #tpu.memory_space<hbm>>
      %dma_wait3A_274 = arith.constant 0 : i32
      %dma_wait3A_275 = arith.constant 0 : i32
      %dma_wait3A_276 = tpu.memref_slice %arg13[%add3A, %dma_wait3A_274, %dma_wait3A_275] : memref<32x4x128xf32, #tpu.memory_space<hbm>> -> memref<1x4x128xf32, #tpu.memory_space<hbm>>
      %dma_wait3A_277 = tpu.memref_squeeze %dma_wait3A_276 : memref<1x4x128xf32, #tpu.memory_space<hbm>> -> memref<4x128xf32, #tpu.memory_space<hbm>>
      tpu.wait_dma2 semaphore(%run_scoped3A : memref<!tpu.dma_semaphore, #tpu.memory_space<semaphore_mem>>) src(%arg21 : memref<4x128xf32, #tpu.memory_space<vmem>>) dst(%dma_wait3A_277 : memref<4x128xf32, #tpu.memory_space<hbm>>)
      tpu.yield
    }) : () -> ()
    return
  }
}

</mosaic_0001>

<sc_bundles>
// kernel: kernel.3.cloned.1.call-start
scs
__scs_entry_jumppad:
0x0: {  	(pc) =	sbr.rel $0x88, $3  }
0x1: {  	(tag) =	ssettag $0x0;
	lr =	simm.s32 $0x1  }
0x2: {  	[smem:$0x3F9B] =	sst lr;
	_ =	strace $0xD0000000  }
0x3: {  	_ = 	snop  }
0x4: {  	_ = 	snop  }
0x5: {  	_ = 	snop  }
0x6: {  	_ = 	snop  }
0x7: {  	_ = 	snop  }
__scs_overlays_trampoline_lowered:
0x8: {  	[smem:$0x3FAA] =	sst s0  }
0x9: {  	[smem:$0x3FAB] =	sst s1  }
0xa: {  	[smem:$0x3FAC] =	sst s2  }
0xb: {  	[smem:$0x3FAD] =	sst s3  }
0xc: {  	[smem:$0x3FAE] =	sst s4  }
0xd: {  	[smem:$0x3FAF] =	sst s5  }
0xe: {  	[smem:$0x3FB0] =	sst s6  }
0xf: {  	[smem:$0x3FB1] =	sst s7  }
0x10: {  	[smem:$0x3FB2] =	sst s8  }
0x11: {  	[smem:$0x3FB3] =	sst s9;
	s0 =	simm.s32 @!p0 $0x0  }
0x12: {  	s1 =	sld [smem:$0x3F99];
	s0 =	simm.s32 @p0 $0x1  }
0x13: {  	[smem:$0x3FB4] =	sst s0;
	s0 =	simm.s32 @!p1 $0x0  }
0x14: {  	s2 =	sld [smem:$0x3F98];
	s0 =	simm.s32 @p1 $0x1  }
0x15: {  	[smem:$0x3FB5] =	sst s0;
	s0 =	simm.s32 @!p2 $0x0  }
0x16: {  	s3 =	sld [smem:$0x3FDB];
	s0 =	simm.s32 @p2 $0x1  }
0x17: {  	s4 =	simm.s32 $0x1BF5;
	[smem:$0x3FB7] =	sst s0  }
0x18: {  	s0 =	sld [smem:$0x3F9A];
	_ =	swait.ge [sflag:s4], $0x0  }
0x19: {  	s7 =	sld [smem:$0x3F9B]  }
0x1a: {  	s8 =	sadd.s32 $0xFFFFE003, lr  }
0x1b: {  	s9 =	sadd.s32 $0xFFFFFEF7, lr;
	s5 =	simm.s32 $0xFFFFFFFF;
	p2 =	slt.u32 s8, $0xFFFFF086  }
0x1c: {  	p1 =	slt.u32 s9, $0xF7A;
	s5 =	simm.s32 @!p2 $0x0  }
0x1d: {  	s5 =	simm.s32 @p1 $0x1;
	p0 =	seq.s32 s7, s2  }
0x1e: {  	s7 =	smul.u32 @!p0 $0xF7A, s2;
	p2 =	seq.s32 @!p0 s5, $0x0  }
0x1f: {  	s9 =	smul.u32 $0xF7A, s1;
	s8 =	simm.s32 @!p0 $0x1BF5;
	p2 =	por !p2, p0  }
0x20: {  	[sflag:s8] =	ssyncset.s32 @!p0 $0xFFFFF086;
	s6 =	sadd.s32 @!p0 s3, s7;
	s7 =	simm.s32 @!p0 $0x108  }
0x21: {  	s3 =	sadd.s32 s3, s9;
	s6 =	sadd.s32 @!p0 $0x88, s6;
	s7 =	simm.s32 @p2 $0x1082  }
0x22: {  	[simem:s7], [sflag:s8] =	dma.local @!p0 [hbm:s6], $0xF7A  }
0x23: {  	s9 =	sor.u32 $0xD0000000, s2;
	s6 =	simm.s32 $0x108;
	_ =	swait.ge @!p0 [sflag:s8], $0x0  }
0x24: {  	s3 =	sadd.s32 $0x88, s3;
	s6 =	simm.s32 @!p1 $0x1082;
	[sflag:s4] =	ssyncset.s32 $0xFFFFF086  }
0x25: {  	[simem:s6], [sflag:s4] =	dma.local [hbm:s3], $0xF7A  }
0x26: {  	[smem:$0x3F9B] =	sst s1;
	(tag) =	ssettag s2;
	_ =	strace s9  }
0x27: {  	s1 =	sld [smem:$0x3FAB]  }
0x28: {  	s2 =	sld [smem:$0x3FAC]  }
0x29: {  	s4 =	sld [smem:$0x3FAE]  }
0x2a: {  	p0 =	seq.s32 s5, $0x0;
	s5 =	sld [smem:$0x3FAF]  }
0x2b: {  	s6 =	sld [smem:$0x3FB0]  }
0x2c: {  	s7 =	sld [smem:$0x3FB1]  }
0x2d: {  	s3 =	simm.s32 $0x108;
	s8 =	sld [smem:$0x3FB2]  }
0x2e: {  	s3 =	simm.s32 @!p0 $0x1082;
	s9 =	sld [smem:$0x3FB3]  }
0x2f: {  	lr =	sadd.s32 s0, s3;
	s0 =	sld [smem:$0x3FAA]  }
0x30: {  	s3 =	sld [smem:$0x3FAD]  }
0x31: {  	[smem:$0x3FB6] =	sst s10  }
0x32: {  	s10 =	sld [smem:$0x3FB4];
	_ =	sdelay $0x3  }
0x33: {  	p0 =	seq.s32 s10, $0x1;
	s10 =	sld [smem:$0x3FB6];
	_ =	sdelay $0x3  }
0x34: {  	[smem:$0x3FB6] =	sst s10  }
0x35: {  	s10 =	sld [smem:$0x3FB5];
	_ =	sdelay $0x3  }
0x36: {  	p1 =	seq.s32 s10, $0x1;
	s10 =	sld [smem:$0x3FB6];
	_ =	sdelay $0x3  }
0x37: {  	[smem:$0x3FB6] =	sst s10  }
0x38: {  	s10 =	sld [smem:$0x3FB7]  }
0x39: {  	_ = 	snop;
	(pc) =	sbr.ind lr, $3  }
0x3a: {  	_ = 	snop  }
0x3b: {  	_ = 	snop  }
0x3c: {  	p2 =	seq.s32 s10, $0x1;
	s10 =	sld [smem:$0x3FB6]  }
0x3d: {  	_ =	shalt  }
0x3e: {  	_ =	shalt  }
0x3f: {  	_ =	shalt  }
0x40: {  	_ =	shalt  }
0x41: {  	_ =	shalt  }
0x42: {  	_ =	shalt  }
0x43: {  	_ =	shalt  }
0x44: {  	_ =	shalt  }
0x45: {  	_ =	shalt  }
0x46: {  	_ =	shalt  }
0x47: {  	_ =	shalt  }
0x48: {  	_ =	shalt  }
0x49: {  	_ =	shalt  }
0x4a: {  	_ =	shalt  }
0x4b: {  	_ =	shalt  }
0x4c: {  	_ =	shalt  }
0x4d: {  	_ =	shalt  }
0x4e: {  	_ =	shalt  }
0x4f: {  	_ =	shalt  }
0x50: {  	_ =	shalt  }
0x51: {  	_ =	shalt  }
0x52: {  	_ =	shalt  }
0x53: {  	_ =	shalt  }
0x54: {  	_ =	shalt  }
0x55: {  	_ =	shalt  }
0x56: {  	_ =	shalt  }
0x57: {  	_ =	shalt  }
0x58: {  	_ =	shalt  }
0x59: {  	_ =	shalt  }
0x5a: {  	_ =	shalt  }
0x5b: {  	_ =	shalt  }
0x5c: {  	_ =	shalt  }
0x5d: {  	_ =	shalt  }
0x5e: {  	_ =	shalt  }
0x5f: {  	_ =	shalt  }
0x60: {  	_ =	shalt  }
0x61: {  	_ =	shalt  }
0x62: {  	_ =	shalt  }
0x63: {  	_ =	shalt  }
0x64: {  	_ =	shalt  }
0x65: {  	_ =	shalt  }
0x66: {  	_ =	shalt  }
0x67: {  	_ =	shalt  }
0x68: {  	_ =	shalt  }
0x69: {  	_ =	shalt  }
0x6a: {  	_ =	shalt  }
0x6b: {  	_ =	shalt  }
0x6c: {  	_ =	shalt  }
0x6d: {  	_ =	shalt  }
0x6e: {  	_ =	shalt  }
0x6f: {  	_ =	shalt  }
0x70: {  	_ =	shalt  }
0x71: {  	_ =	shalt  }
0x72: {  	_ =	shalt  }
0x73: {  	_ =	shalt  }
0x74: {  	_ =	shalt  }
0x75: {  	_ =	shalt  }
0x76: {  	_ =	shalt  }
0x77: {  	_ =	shalt  }
0x78: {  	_ =	shalt  }
0x79: {  	_ =	shalt  }
0x7a: {  	_ =	shalt  }
0x7b: {  	_ =	shalt  }
0x7c: {  	_ =	shalt  }
0x7d: {  	_ =	shalt  }
0x7e: {  	_ =	shalt  }
0x7f: {  	_ =	shalt  }
0x80: {  	_ =	shalt  }
0x81: {  	_ =	shalt  }
0x82: {  	_ =	shalt  }
0x83: {  	_ =	shalt  }
0x84: {  	_ =	shalt  }
0x85: {  	_ =	shalt  }
0x86: {  	_ =	shalt  }
0x87: {  	_ =	shalt  }
.Lfunc_end0:
.L_simem_size_0:
called_computation_lowered:
.L_overlay_start_0:
0x88: {  	s2 =	sld [smem:$0x3FD9]  }
0x89: {  	s3 =	sld [smem:$0x3FFE];
	_ =	sdelay $0x1  }
0x8a: {  	s1 =	srdreg.scid  }
0x8b: {  	s0 =	sand.u32 $0x1, s1  }
0x8c: {  	s14 =	sshll.u32 s0, $0xA;
	s2 =	sadd.s32 s3, s2  }
0x8d: {  	s2 =	sadd.s32 s2, s14  }
0x8e: {  	[smem:$0x3FC2] =	sst s2  }
0x8f: {  	_ = 	snop  }
0x90: {  	s2 =	sld [smem:$0x3FC9]  }
0x91: {  	s15 =	sld [smem:$0x3FD0]  }
0x92: {  	s4 =	sld [smem:$0x3FC8]  }
0x93: {  	s5 =	sld [smem:$0x3FC7]  }
0x94: {  	s7 =	simm.s32 $0xA;
	s8 =	simm.s32 $0x10;
	s6 =	sld [smem:$0x3FC6]  }
0x95: {  	[smem:s8], [sflag:s7] =	dma.local [hbm:s15], $0x1  }
0x96: {  	_ =	swait.eq [sflag:s7], $0x1  }
0x97: {  	s16 =	sld [smem:$0x10]  }
0x98: {  	s17 =	sld [smem:$0x11];
	[sflag:s7] =	ssyncset.done $0x0  }
0x99: {  	s9 =	sld [smem:$0x12];
	[sflag:s7] =	ssyncadd.s32 $0xFFFFFFFF  }
0x9a: {  	s18 =	sld [smem:$0x13];
	(tm) =	ssettm $0x1  }
0x9b: {  	s10 =	sld [smem:$0x3FFB];
	_ =	sdelay $0x3  }
0x9c: {  	_ =	strace s10  }
0x9d: {  	s10 =	sld [smem:$0x3FFC];
	_ =	sdelay $0x3  }
0x9e: {  	_ =	strace s10  }
0x9f: {  	s10 =	sld [smem:$0x3FFD];
	_ =	sdelay $0x3  }
0xa0: {  	_ =	strace s10  }
0xa1: {  	_ =	strace $0x8FFFFFFF  }
0xa2: {  	s19 =	sld [smem:$0x3FDB];
	_ =	sdelay $0x1  }
0xa3: {  	s11 =	simm.s32 $_scs_section_size  }
0xa4: {  	s12 =	simm.s32 $_size__tile_overlayer_lowered;
	s13 =	simm.s32 $_tile_overlayer_lowered  }
0xa5: {  	s22 =	simm.s32 $0x1BFF;
	s21 =	sshll.u32 s13, $0x1;
	s10 =	sadd.s32 s11, s19  }
0xa6: {  	s20 =	sshll.u32 s12, $0x1;
	s14 =	simm.s32 $0x0;
	s12 =	sadd.s32 s21, s10  }
0xa7: {  	[timem:s14], [sflag:s22] =	dma.local [hbm:s12], s20  }
0xa8: {  	_ =	swait.ge [sflag:s22], s20  }
0xa9: {  	s11 =	ssub.s32 $0x0, s20;
	[sflag:s22] =	ssyncset.done $0x0  }
0xaa: {  	[sflag:s22] =	ssyncadd.s32 s11;
	_ =	sdelay $0x1  }
0xab: {  	s23 =	simm.s32 $0x1B8B  }
0xac: {  	_ =	swait.ge [sflag:s23], $0x1  }
0xad: {  	[sflag:s23] =	ssyncset.done $0x0  }
0xae: {  	s25 =	simm.s32 $0x1B8E;
	s24 =	sld [smem:$0x3FFE];
	[sflag:s23] =	ssyncadd.s32 $0xFFFFFFFF  }
0xaf: {  	s26 =	simm.s32 $execute0_lowered;
	[smem:$0x3FD2] =	sst s25  }
0xb0: {  	s12 =	sshll.u32 s26, $0x1;
	_ =	strace $0x80000046;
	[dreg:$0x1] =	wrdreg $0xFFFFFFFF  }
0xb1: {  	s28 =	simm.s32 $_size_execute0_lowered;
	s10 =	sadd.s32 s10, s12;
	[dreg:$0x0] =	wrdreg $0x0  }
0xb2: {  	s12 =	sshll.u32 s28, $0x1;
	[dreg:$0x2] =	wrdreg s10  }
0xb3: {  	[dreg:$0x3] =	wrdreg s12  }
0xb4: {  	[dreg:$0x4] =	wrdreg $0xC0  }
0xb5: {  	_ =	task [dreg:s14], $0x5FFFF  }
0xb6: {  	[dreg:$0x1] =	wrdreg $0xFFFFFFFF  }
0xb7: {  	[dreg:$0x0] =	wrdreg $0x60  }
0xb8: {  	[dreg:$0x2] =	wrdreg s16  }
0xb9: {  	[dreg:$0x3] =	wrdreg s17  }
0xba: {  	[dreg:$0x4] =	wrdreg s2  }
0xbb: {  	[dreg:$0x5] =	wrdreg s4  }
0xbc: {  	[dreg:$0x6] =	wrdreg s5  }
0xbd: {  	[dreg:$0x7] =	wrdreg s6  }
0xbe: {  	[dreg:$0x8] =	wrdreg s24  }
0xbf: {  	[dreg:$0x9] =	wrdreg s9  }
0xc0: {  	[dreg:$0xa] =	wrdreg s18  }
0xc1: {  	[dreg:$0xb] =	wrdreg $0x9  }
0xc2: {  	_ =	task.clear_ibuf [dreg:s14], $0xCFFFF;
	_ =	strace $0x90000046  }
0xc3: {  	s29 =	simm.s32 $0x9;
	_ =	strace $0x80000048  }
0xc4: {  	_ =	swait.ge [sflag:s29], $0x1  }
0xc5: {  	[sflag:s29] =	ssyncadd.s32 $0xFFFFFFFF  }
0xc6: {  	_ =	strace $0x90000048  }
0xc7: {  	_ =	sfence  }
0xc8: {  	s30 =	sld [smem:$0x0];
	_ =	sdelay $0x2  }
0xc9: {  	s31 =	sshll.u32 s1, $0xD;
	s1 =	sshrl.u32 s1, $0x2  }
0xca: {  	s3 =	sand.u32 $0x4000, s31;
	s1 =	sadd.s32 s1, s30  }
0xcb: {  	s0 =	sor.u32 s3, s0;
	s1 =	sshll.u32 s1, $0x11  }
0xcc: {  	s0 =	sor.u32 s1, s0  }
0xcd: {  	s0 =	sadd.s32 $0x8F2B, s0  }
0xce: {  	[sflag:s0] =	ssyncadd.remote.s32 $0x1  }
0xcf: {  	_ =	sfence.sel $0xFFFF  }
0xd0: {  	[dreg:$0x0] =	wrdreg $0xFFFFFFFF;
	(pc) =	sbr.abs _section_cstart, $3  }
0xd1: {  	[dreg:$0x1] =	wrdreg $0xFFFFFFFF  }
0xd2: {  	_ =	task.clear_ibuf [dreg:s14], $0x2FFFF;
	_ =	strace $0x9FFFFFFF  }
0xd3: {  	(tm) =	ssettm $0x7FFFFFFF  }
tec
execute0_lowered:
.L_overlay_start_1:
0x0: {  	(tag) =	ssettag $0x1  }
0x1: {  	s0 =	rddreg [dreg:$0x0]  }
0x2: {  	s4 =	rddreg [dreg:$0x1]  }
0x3: {  	s7 =	rddreg [dreg:$0x2]  }
0x4: {  	s8 =	rddreg [dreg:$0x3]  }
0x5: {  	s1 =	rddreg [dreg:$0x4]  }
0x6: {  	s2 =	rddreg [dreg:$0x5]  }
0x7: {  	s9 =	rddreg [dreg:$0x6]  }
0x8: {  	s17 =	rddreg [dreg:$0x7]  }
0x9: {  	s18 =	rddreg [dreg:$0x8];
	s3 =	simm.s32 $0x0  }
0xa: {  	s10 =	srdreg.scid;
	s13 =	stileid.u32;
	s21 =	simm.s32 $0x3  }
0xb: {  	s22 =	simm.s32 $0x8200;
	s23 =	simm.s32 $0x80;
	s28 =	simm.s32 $0x8400  }
0xc: {  	s29 =	simm.s32 $0xC400;
	s30 =	simm.s32 $0x2;
	s31 =	simm.s32 $0x0  }
0xd: {  	[smem:$0x7FF] =	sst s3;
	s5 =	sadd.s32 $0x1400, s9;
	s6 =	sadd.s32 $0xF5800, s9  }
0xe: {  	s10 =	sand.u32 $0x1, s10;
	s15 =	sadd.s32 $0x1E9C00, s9;
	s13 =	sshll.u32 s13, $0x7  }
0xf: {  	s9 =	sadd.s32 $0x209C00, s9;
	s11 =	ssub.s32 $0x2, s10;
	s10 =	sshll.u32 s10, $0x6  }
0x10: {  	_ =	strace $0x80000047;
	s12 =	sshrl.u32 s11, $0x1;
	s20 =	sor.u32 s10, s13  }
0x11: {  	s19 =	ssub.s32 s11, s12;
	s7 =	sadd.s32 s7, s20;
	s24 =	sadd.s32 s8, s20  }
0x12: {  	s25 =	sadd.s32 s0, s20;
	s10 =	sadd.s32 s4, s20;
	s11 =	sadd.s32 s15, s20  }
0x13: {  	s26 =	sor.u32 $0x10000, s20;
	s12 =	sadd.s32 s9, s20;
	[dreg:$0xa] =	wrdreg s7  }
0x14: {  	s17 =	sadd.s32 s17, s20;
	s18 =	sadd.s32 s18, s20;
	[dreg:$0xb] =	wrdreg s24  }
0x15: {  	s20 =	simm.s32 $0x8000;
	[dreg:$0xc] =	wrdreg s25;
	s13 =	sadd.s32 s0, s26  }
0x16: {  	s14 =	sadd.s32 s4, s26;
	s15 =	sadd.s32 s15, s26;
	s16 =	sadd.s32 s9, s26  }
0x17: {  	s19 =	smax.u32 s19, $0x1;
	s24 =	simm.s32 $0x10400;
	s25 =	simm.s32 $0x10600  }
0x18: {  	s0 =	simm.s32 $0x200;
	s4 =	simm.s32 $0x4000;
	s26 =	simm.s32 $0x1  }
.LBB2_1:
0x19: {  	s7 =	rddreg [dreg:$0xa]  }
0x1a: {  	[tilespmem:s20], [sflag:$0x3] =	stream.linear.gather [hbm4b:s7+s3], $0x200, $0x38;
	[tilespmem:$0x10800] =	vst v63  }
0x1b: {  	_ =	swait.ge [sflag:s21], $0x200  }
0x1c: {  	[sflag:s21] =	ssyncset.done $0x0  }
0x1d: {  	s8 =	rddreg [dreg:$0xb];
	[sflag:s21] =	ssyncadd.s32 $0xFFFFFE00  }
0x1e: {  	[tilespmem:s22], [sflag:$0x3] =	stream.linear.gather [hbm4b:s8+s3], $0x200, $0x38;
	[tilespmem:$0x10800] =	vst v63  }
0x1f: {  	_ =	swait.ge [sflag:s21], $0x200  }
0x20: {  	[sflag:s21] =	ssyncset.done $0x0  }
0x21: {  	[sflag:s21] =	ssyncadd.s32 $0xFFFFFE00  }
0x22: {  	[tilespmem:s24], [sflag:$0x2] =	stream.indirect.gather [hbm4b:s5+s23], $0x1, s20, s23, $0xb8;
	[tilespmem:$0x10800] =	vst v63  }
0x23: {  	_ = 	snop  }
0x24: {  	[tilespmem:s25], [sflag:$0x2] =	stream.indirect.gather [hbm4b:s6+s23], $0x1, s22, s23, $0xb8;
	[tilespmem:$0x10800] =	vst v63  }
0x25: {  	s9 =	simm.s32 $0x8080;
	s8 =	simm.s32 $0x10480  }
0x26: {  	[tilespmem:s8], [sflag:$0x2] =	stream.indirect.gather [hbm4b:s5+s23], $0x1, s9, s23, $0xb8;
	[tilespmem:$0x10800] =	vst v63  }
0x27: {  	s8 =	simm.s32 $0x8280;
	s9 =	simm.s32 $0x10680  }
0x28: {  	[tilespmem:s9], [sflag:$0x2] =	stream.indirect.gather [hbm4b:s6+s23], $0x1, s8, s23, $0xb8;
	[tilespmem:$0x10800] =	vst v63  }
0x29: {  	s8 =	simm.s32 $0x8100;
	s9 =	simm.s32 $0x10500  }
0x2a: {  	[tilespmem:s9], [sflag:$0x2] =	stream.indirect.gather [hbm4b:s5+s23], $0x1, s8, s23, $0xb8;
	[tilespmem:$0x10800] =	vst v63  }
0x2b: {  	s8 =	simm.s32 $0x8300;
	s9 =	simm.s32 $0x10700  }
0x2c: {  	[tilespmem:s9], [sflag:$0x2] =	stream.indirect.gather [hbm4b:s6+s23], $0x1, s8, s23, $0xb8;
	[tilespmem:$0x10800] =	vst v63  }
0x2d: {  	s8 =	simm.s32 $0x8180;
	s9 =	simm.s32 $0x10580  }
0x2e: {  	[tilespmem:s9], [sflag:$0x2] =	stream.indirect.gather [hbm4b:s5+s23], $0x1, s8, s23, $0xb8;
	[tilespmem:$0x10800] =	vst v63  }
0x2f: {  	s8 =	simm.s32 $0x8380;
	s9 =	simm.s32 $0x10780  }
0x30: {  	[tilespmem:s9], [sflag:$0x2] =	stream.indirect.gather [hbm4b:s6+s23], $0x1, s8, s23, $0xb8;
	[tilespmem:$0x10800] =	vst v63  }
0x31: {  	s9 =	rddreg [dreg:$0xc]  }
0x32: {  	[tilespmem:s3], [sflag:$0x3] =	stream.strided.gather [hbm4b:s9+s0], $0x4000, s4, s0, $0x38;
	[tilespmem:$0x10800] =	vst v63  }
0x33: {  	_ =	swait.ge [sflag:s21], $0x4000  }
0x34: {  	[sflag:s21] =	ssyncset.done $0x0  }
0x35: {  	[sflag:s21] =	ssyncadd.s32 $0xFFFFC000  }
0x36: {  	[tilespmem:s4], [sflag:$0x3] =	stream.strided.gather [hbm4b:s10+s0], $0x4000, s4, s0, $0x38;
	[tilespmem:$0x10800] =	vst v63  }
0x37: {  	_ =	swait.ge [sflag:s21], $0x4000  }
0x38: {  	s9 =	sand.u32 $0x3F80, s3;
	[sflag:s21] =	ssyncset.done $0x0  }
0x39: {  	s8 =	sadd.s32 $0x8400, s9;
	[sflag:s21] =	ssyncadd.s32 $0xFFFFC000  }
0x3a: {  	[tilespmem:s8], [sflag:$0x1] =	stream.indirect.gather [hbm4b:s1+s23], $0x1, s9, s23, $0xb8;
	[tilespmem:$0x10800] =	vst v63  }
0x3b: {  	s7 =	simm.s32 $0x80;
	s8 =	sadd.s32 $0xC400, s9;
	s9 =	sor.u32 $0x4000, s9  }
.LBB2_2:
0x3c: {  	[tilespmem:s8], [sflag:$0x1] =	stream.indirect.gather [hbm4b:s2+s23], $0x1, s9, s23, $0xb8;
	[tilespmem:$0x10800] =	vst v63  }
0x3d: {  	s8 =	smov.u32 s7;
	p0 =	sne.s32 s7, $0x3F80  }
.Ltmp0:
0x3e: {  	s7 =	sadd.s32 $0x80, s7;
	(pc) =	sbr.rel @p0 .LBB2_2-.Ltmp0, $4  }
0x3f: {  	s9 =	sand.u32 $0x3F80, s8  }
0x40: {  	s8 =	sadd.s32 $0x8400, s9  }
0x41: {  	[tilespmem:s8], [sflag:$0x1] =	stream.indirect.gather [hbm4b:s1+s23], $0x1, s9, s23, $0xb8;
	[tilespmem:$0x10800] =	vst v63  }
0x42: {  	s8 =	sadd.s32 $0xC400, s9;
	s9 =	sor.u32 $0x4000, s9  }
0x43: {  	[tilespmem:s8], [sflag:$0x1] =	stream.indirect.gather [hbm4b:s2+s23], $0x1, s9, s23, $0xb8;
	[tilespmem:$0x10800] =	vst v63  }
0x44: {  	_ =	swait.ge [sflag:s26], $0x4000  }
0x45: {  	[sflag:s26] =	ssyncset.done $0x0  }
0x46: {  	[sflag:s26] =	ssyncadd.s32 $0xFFFFC000  }
0x47: {  	_ =	swait.ge [sflag:s26], $0x4000  }
0x48: {  	[sflag:s26] =	ssyncset.done $0x0  }
0x49: {  	[sflag:s26] =	ssyncadd.s32 $0xFFFFC000  }
0x4a: {  	[hbm4b:s11+s0] =	stream.strided.scatter [tilespmem:s28], [sflag:$0x3], $0x4000, s4, s0, $0x38;
	[tilespmem:$0x10800] =	vst v63  }
0x4b: {  	_ =	swait.ge [sflag:s21], $0x4000  }
0x4c: {  	[sflag:s21] =	ssyncset.done $0x0  }
0x4d: {  	[sflag:s21] =	ssyncadd.s32 $0xFFFFC000  }
0x4e: {  	[hbm4b:s12+s0] =	stream.strided.scatter [tilespmem:s29], [sflag:$0x3], $0x4000, s4, s0, $0x38;
	[tilespmem:$0x10800] =	vst v63  }
0x4f: {  	_ =	swait.ge [sflag:s21], $0x4000  }
0x50: {  	[sflag:s21] =	ssyncset.done $0x0  }
0x51: {  	s7 =	simm.s32 $0x0;
	[sflag:s21] =	ssyncadd.s32 $0xFFFFC000  }
0x52: {  	[tilespmem:s7], [sflag:$0x3] =	stream.strided.gather [hbm4b:s13+s0], $0x4000, s4, s0, $0x38;
	[tilespmem:$0x10800] =	vst v63  }
0x53: {  	_ =	swait.ge [sflag:s21], $0x4000  }
0x54: {  	[sflag:s21] =	ssyncset.done $0x0  }
0x55: {  	[sflag:s21] =	ssyncadd.s32 $0xFFFFC000  }
0x56: {  	[tilespmem:s4], [sflag:$0x3] =	stream.strided.gather [hbm4b:s14+s0], $0x4000, s4, s0, $0x38;
	[tilespmem:$0x10800] =	vst v63  }
0x57: {  	_ =	swait.ge [sflag:s21], $0x4000  }
0x58: {  	s9 =	sand.u32 $0x3F80, s7;
	[sflag:s21] =	ssyncset.done $0x0  }
0x59: {  	s7 =	sadd.s32 $0x8400, s9;
	[sflag:s21] =	ssyncadd.s32 $0xFFFFC000  }
0x5a: {  	[tilespmem:s7], [sflag:$0x1] =	stream.indirect.gather [hbm4b:s1+s23], $0x1, s9, s23, $0xb8;
	[tilespmem:$0x10800] =	vst v63  }
0x5b: {  	s8 =	sadd.s32 $0xC400, s9;
	s7 =	simm.s32 $0x80;
	s9 =	sor.u32 $0x4000, s9  }
.LBB2_4:
0x5c: {  	[tilespmem:s8], [sflag:$0x1] =	stream.indirect.gather [hbm4b:s2+s23], $0x1, s9, s23, $0xb8;
	[tilespmem:$0x10800] =	vst v63  }
0x5d: {  	s8 =	smov.u32 s7;
	p0 =	sne.s32 s7, $0x3F80  }
.Ltmp1:
0x5e: {  	s7 =	sadd.s32 $0x80, s7;
	(pc) =	sbr.rel @p0 .LBB2_4-.Ltmp1, $4  }
0x5f: {  	s9 =	sand.u32 $0x3F80, s8  }
0x60: {  	s8 =	sadd.s32 $0x8400, s9  }
0x61: {  	[tilespmem:s8], [sflag:$0x1] =	stream.indirect.gather [hbm4b:s1+s23], $0x1, s9, s23, $0xb8;
	[tilespmem:$0x10800] =	vst v63  }
0x62: {  	s8 =	sadd.s32 $0xC400, s9;
	s9 =	sor.u32 $0x4000, s9  }
0x63: {  	[tilespmem:s8], [sflag:$0x1] =	stream.indirect.gather [hbm4b:s2+s23], $0x1, s9, s23, $0xb8;
	[tilespmem:$0x10800] =	vst v63  }
0x64: {  	_ =	swait.ge [sflag:s26], $0x4000  }
0x65: {  	[sflag:s26] =	ssyncset.done $0x0  }
0x66: {  	[sflag:s26] =	ssyncadd.s32 $0xFFFFC000  }
0x67: {  	_ =	swait.ge [sflag:s26], $0x4000  }
0x68: {  	[sflag:s26] =	ssyncset.done $0x0  }
0x69: {  	[sflag:s26] =	ssyncadd.s32 $0xFFFFC000  }
0x6a: {  	[hbm4b:s15+s0] =	stream.strided.scatter [tilespmem:s28], [sflag:$0x3], $0x4000, s4, s0, $0x38;
	[tilespmem:$0x10800] =	vst v63  }
0x6b: {  	_ =	swait.ge [sflag:s21], $0x4000  }
0x6c: {  	[sflag:s21] =	ssyncset.done $0x0  }
0x6d: {  	[sflag:s21] =	ssyncadd.s32 $0xFFFFC000  }
0x6e: {  	[hbm4b:s16+s0] =	stream.strided.scatter [tilespmem:s29], [sflag:$0x3], $0x4000, s4, s0, $0x38;
	[tilespmem:$0x10800] =	vst v63  }
0x6f: {  	_ =	swait.ge [sflag:s21], $0x4000  }
0x70: {  	[sflag:s21] =	ssyncset.done $0x0  }
0x71: {  	[sflag:s21] =	ssyncadd.s32 $0xFFFFC000  }
0x72: {  	_ =	swait.ge [sflag:s30], $0x80  }
0x73: {  	[sflag:s30] =	ssyncset.done $0x0  }
0x74: {  	[sflag:s30] =	ssyncadd.s32 $0xFFFFFF80  }
0x75: {  	_ =	swait.ge [sflag:s30], $0x80  }
0x76: {  	[sflag:s30] =	ssyncset.done $0x0  }
0x77: {  	[sflag:s30] =	ssyncadd.s32 $0xFFFFFF80  }
0x78: {  	_ =	swait.ge [sflag:s30], $0x80  }
0x79: {  	[sflag:s30] =	ssyncset.done $0x0  }
0x7a: {  	[sflag:s30] =	ssyncadd.s32 $0xFFFFFF80  }
0x7b: {  	_ =	swait.ge [sflag:s30], $0x80  }
0x7c: {  	[sflag:s30] =	ssyncset.done $0x0  }
0x7d: {  	[sflag:s30] =	ssyncadd.s32 $0xFFFFFF80  }
0x7e: {  	_ =	swait.ge [sflag:s30], $0x80  }
0x7f: {  	[sflag:s30] =	ssyncset.done $0x0  }
0x80: {  	[sflag:s30] =	ssyncadd.s32 $0xFFFFFF80  }
0x81: {  	_ =	swait.ge [sflag:s30], $0x80  }
0x82: {  	[sflag:s30] =	ssyncset.done $0x0  }
0x83: {  	[sflag:s30] =	ssyncadd.s32 $0xFFFFFF80  }
0x84: {  	_ =	swait.ge [sflag:s30], $0x80  }
0x85: {  	[sflag:s30] =	ssyncset.done $0x0  }
0x86: {  	[sflag:s30] =	ssyncadd.s32 $0xFFFFFF80  }
0x87: {  	_ =	swait.ge [sflag:s30], $0x80  }
0x88: {  	[sflag:s30] =	ssyncset.done $0x0  }
0x89: {  	[sflag:s30] =	ssyncadd.s32 $0xFFFFFF80  }
0x8a: {  	[hbm4b:s17+s3] =	stream.linear.scatter [tilespmem:s24], [sflag:$0x3], $0x200, $0x38;
	[tilespmem:$0x10800] =	vst v63  }
0x8b: {  	s31 =	sadd.s32 $0x1, s31;
	_ =	swait.ge [sflag:s21], $0x200  }
0x8c: {  	p0 =	sne.s32 s31, s19;
	[sflag:s21] =	ssyncset.done $0x0  }
.Ltmp2:
0x8d: {  	[sflag:s21] =	ssyncadd.s32 $0xFFFFFE00;
	(pc) =	sbr.rel @p0 .LBB2_1-.Ltmp2, $4  }
0x8e: {  	[hbm4b:s18+s3] =	stream.linear.scatter [tilespmem:s25], [sflag:$0x3], $0x200, $0x38;
	[tilespmem:$0x10800] =	vst v63  }
0x8f: {  	_ =	swait.ge [sflag:s21], $0x200  }
0x90: {  	[sflag:s21] =	ssyncset.done $0x0  }
0x91: {  	[sflag:s21] =	ssyncadd.s32 $0xFFFFFE00  }
0x92: {  	_ =	sfence.sel $0x180000  }
0x93: {  	[bflag:$0x0] =	sbarrier.arrive $0xFFFF  }
0x94: {  	_ =	strace $0x90000047  }
0x95: {  	s0 =	stileid.u32;
	[bflag:$0x2] =	sbarrier.arrive $0xFFFF  }
0x96: {  	p0 =	sne.s32 s0, $0x0;
	s0 =	rddreg [dreg:$0x9]  }
0x97: {  	s0 =	sadd.s32 @!p0 $0x100000, s0  }
0x98: {  	[sflag:s0] =	ssyncadd.tile.s32 @!p0 $0x1;
	_ =	shalt  }
.Lfunc_end2:
_tile_overlayer_lowered:
.L_overlay_start_2:
0x99: {  	(tag) =	ssettag $0x2  }
0x9a: {  	s0 =	rddreg [dreg:$0x0];
	s2 =	stileid.u32  }
0x9b: {  	s1 =	rddreg [dreg:$0x1];
	p0 =	sne.s32 s2, $0x0  }
0x9c: {  	s3 =	rddreg [dreg:$0x2];
	[bflag:$0x3] =	sbarrier.arrive $0xFFFF;
	s2 =	simm.s32 @!p0 $0x1C03  }
0x9d: {  	[timem:s3], [sflag:s2] =	dma.local @!p0 [hbm:s0], s1  }
0x9e: {  	s0 =	simm.s32 @!p0 $0x3  }
0x9f: {  	_ =	swait.ge @!p0 [sflag:s0], s1  }
0xa0: {  	s1 =	ssub.s32 @!p0 $0x0, s1;
	[sflag:s0] =	ssyncset.done @!p0 $0x0  }
0xa1: {  	[sflag:s0] =	ssyncadd.s32 @!p0 s1  }
0xa2: {  	[bflag:$0x3] =	sbarrier.arrive $0xFFFF  }
0xa3: {  	_ =	shalt  }

</sc_bundles>
